<compile_context>
chip_gen: v7x
topology: tpu7x:2x2x1
jax: 0.10.2.dev20260603
libtpu: 0.0.44.dev20260713+nightly
codegen_flags: <defaults>
</compile_context>

<pallas_src>
import jax
import jax.numpy as jnp
from jax import lax
from jax.experimental import pallas as pl
from jax.experimental.pallas import tpu as pltpu
from jax.experimental.pallas import tpu_sc as plsc

BATCH = 16384
N_FEATURES = 26
DIM = 32

NC, NS = 2, 16
NW = NC * NS
B_PER_W = BATCH // NW
BB_PER_W = B_PER_W // 128
NIT = BB_PER_W * N_FEATURES


def _lookup_kernel(table_hbm, idx_hbm, out_hbm, idx_v, rows, tiles, isem, gsem, ssem):
    wid = lax.axis_index("s") * NC + lax.axis_index("c")
    iota = lax.iota(jnp.int32, 16)

    pltpu.async_copy(
        idx_hbm.at[:, pl.ds(wid * BB_PER_W, BB_PER_W)], idx_v, isem
    ).wait()

    def start_gathers(f, slot):
        for bbl in range(BB_PER_W):
            pltpu.async_copy(
                table_hbm.at[idx_v.at[f, bbl]],
                rows.at[slot, pl.ds(bbl * 128, 128)],
                gsem.at[slot],
            )

    def wait_gathers(slot):
        pltpu.make_async_copy(
            table_hbm.at[pl.ds(0, 4 * 128)], rows.at[slot], gsem.at[slot]
        ).wait()

    def start_stores(f, slot):
        for d8 in range(4):
            pltpu.async_copy(
                tiles.at[slot, d8, pl.ds(0, BB_PER_W), :, pl.ds(0, 128)],
                out_hbm.at[f, d8, pl.ds(wid * BB_PER_W, BB_PER_W)],
                ssem.at[slot],
            )

    def wait_stores(slot):
        for _ in range(4):
            pltpu.make_async_copy(
                tiles.at[slot, 0, pl.ds(0, BB_PER_W), :, pl.ds(0, 128)],
                out_hbm.at[0, 0, pl.ds(0, BB_PER_W)],
                ssem.at[slot],
            ).wait()

    d8_vec = [iota // 8, 2 + iota // 8]
    dr_vec = iota & 7

    def transpose_block(slot):
        def rbody(r0, carry):
            for u in range(8):
                r = r0 * 8 + u
                bbl = r // 128
                br = jnp.broadcast_to(lax.rem(r, 128), (16,)).astype(jnp.int32)
                bblv = jnp.broadcast_to(bbl, (16,)).astype(jnp.int32)
                for h in range(2):
                    vals = rows[slot, r, pl.ds(h * 16, 16)]
                    plsc.store_scatter(
                        tiles.at[slot], [d8_vec[h], bblv, dr_vec, br], vals
                    )
            return carry

        lax.fori_loop(0, 4 * 128 // 8, rbody, 0)

    start_gathers(0, 0)

    def body(f, carry):
        slot = f & 1
        other = 1 - slot

        @pl.when(f + 1 < N_FEATURES)
        def _():
            start_gathers(f + 1, other)

        wait_gathers(slot)

        @pl.when(f >= 2)
        def _():
            wait_stores(slot)

        transpose_block(slot)
        start_stores(f, slot)
        return carry

    lax.fori_loop(0, N_FEATURES, body, 0)
    wait_stores(0)
    wait_stores(1)


def kernel(indices, table):
    idx3 = indices.T.reshape(N_FEATURES, BATCH // 128, 128)
    mesh = plsc.VectorSubcoreMesh(core_axis_name="c", subcore_axis_name="s")
    out5 = pl.kernel(
        _lookup_kernel,
        out_type=jax.ShapeDtypeStruct(
            (N_FEATURES, 4, BATCH // 128, 8, 128), jnp.float32
        ),
        mesh=mesh,
        scratch_types=[
            pltpu.VMEM((N_FEATURES, BB_PER_W, 128), jnp.int32),
            pltpu.VMEM((2, BB_PER_W * 128, DIM), jnp.float32),
            pltpu.VMEM((2, 4, BB_PER_W + 1, 8, 129), jnp.float32),
            pltpu.SemaphoreType.DMA,
            pltpu.SemaphoreType.DMA((2,)),
            pltpu.SemaphoreType.DMA((2,)),
        ],
        compiler_params=pltpu.CompilerParams(
            use_tc_tiling_on_sc=False, needs_layout_passes=False
        ),
    )(table, idx3)
    return out5.transpose(2, 4, 0, 1, 3).reshape(BATCH, N_FEATURES, DIM)

# --- scband reference (transcript-rebuilt; emitter-appended) ---
"""Pipeline reference for scband-inference-embedding-70265664962868 (READ-ONLY COPY).

The authoritative reference and input builder live on the scoring server;
editing this copy changes nothing except your own understanding.
"""

import jax, jax.numpy as jnp
import numpy as np

BATCH = 16384
N_FEATURES = 26
VOCAB = 1000000
DIM = 32

def setup_inputs(seed: int = 0) -> dict:
    key = jax.random.key(seed)
    k1, k2 = jax.random.split(key)
    # KeyedJaggedTensor modeled as fixed-length-1 features: one id per (sample, feature).
    indices = jax.random.randint(k1, (BATCH, N_FEATURES), 0, VOCAB, dtype=jnp.int32)
    # Dynamic embedding table (DynamicEmbTableOptions: float32 values, dim=DIM,
    # max_capacity=VOCAB, NORMAL initializer).
    table = jax.random.normal(k2, (VOCAB, DIM), dtype=jnp.float32) * 0.01
    return {"indices": indices, "table": table}

def reference(indices, table):
    # InferenceDynamicEmbeddingCollection.forward: gather embedding rows for the
    # flattened KJT values, then re-associate with (sample, feature) structure.
    # values() of the KJT is the flattened indices; the lookup is a pure row gather.
    flat_values = indices.reshape(-1)  # features.values()
    embeddings = jnp.take(table, flat_values, axis=0)  # BatchedDynamicEmbeddingTables lookup
    # to_dict(): reshape back to [batch, n_features, dim] (each feature key -> [batch, dim])
    embeddings_kjt = embeddings.reshape(BATCH, N_FEATURES, DIM)
    return embeddings_kjt

if __name__ == "__main__":
    import jax
    _d = setup_inputs()
    print(jax.jit(kernel)(*tuple(_d.values())))

</pallas_src>

<mosaic_0001>
#map = affine_map<(d0, d1) -> (0, 0)>
#map1 = affine_map<(d0, d1) -> (0, 0, 0)>
#map2 = affine_map<(d0, d1) -> (0, 0, 0, 0, 0)>
module attributes {stable_mosaic.version = 14 : i64} {
  func.func @_lookup_kernel(%arg0: i32, %arg1: i32, %arg2: memref<1000000x32xf32, #tpu.memory_space<hbm>>, %arg3: memref<26x128x128xi32, #tpu.memory_space<hbm>>, %arg4: memref<26x4x128x8x128xf32, #tpu.memory_space<hbm>>, %arg5: memref<26x4x128xi32, #tpu.memory_space<vmem>>, %arg6: memref<2x512x32xf32, #tpu.memory_space<vmem>>, %arg7: memref<2x4x5x8x129xf32, #tpu.memory_space<vmem>>, %arg8: memref<!tpu.dma_semaphore, #tpu.memory_space<semaphore_mem>>, %arg9: memref<2x!tpu.dma_semaphore, #tpu.memory_space<semaphore_mem>>, %arg10: memref<2x!tpu.dma_semaphore, #tpu.memory_space<semaphore_mem>>) attributes {dimension_semantics = [#tpu.dimension_semantics<core_parallel>, #tpu.dimension_semantics<subcore_parallel>], iteration_bounds = array<i64: 2, 16>, scalar_prefetch = 0 : i64, scratch_operands = 6 : i64, tpu.core_type = #tpu.core_type<sc_vector_subcore>, window_params = [{transform_indices = #map}, {transform_indices = #map1}, {transform_indices = #map2}]} {
    %mul3A = arith.constant 2 : i32
    %mul3A_0 = arith.muli %arg1, %mul3A : i32
    %add3A = arith.addi %mul3A_0, %arg0 : i32
    %iota3A = tpu.iota {dimensions = array<i32: 0>} : vector<16xi32>
    %mul3A_1 = arith.constant 4 : i32
    %mul3A_2 = arith.muli %add3A, %mul3A_1 : i32
    %dma_start3A = arith.constant 0 : i32
    %dma_start3A_3 = arith.constant 0 : i32
    %dma_start3A_4 = tpu.memref_slice %arg3[%dma_start3A, %mul3A_2, %dma_start3A_3] : memref<26x128x128xi32, #tpu.memory_space<hbm>> -> memref<26x4x128xi32, #tpu.memory_space<hbm>>
    %dma_start3A_5 = arith.constant 0 : i32
    %dma_start3A_6 = arith.constant 0 : i32
    %dma_start3A_7 = tpu.memref_slice %arg3[%dma_start3A_5, %mul3A_2, %dma_start3A_6] : memref<26x128x128xi32, #tpu.memory_space<hbm>> -> memref<26x4x128xi32, #tpu.memory_space<hbm>>
    tpu.enqueue_dma source(%dma_start3A_7 : memref<26x4x128xi32, #tpu.memory_space<hbm>>) target(%arg5 : memref<26x4x128xi32, #tpu.memory_space<vmem>>) target_semaphore(%arg8 : memref<!tpu.dma_semaphore, #tpu.memory_space<semaphore_mem>>)
    %dma_wait3A = arith.constant 0 : i32
    %dma_wait3A_8 = arith.constant 0 : i32
    %dma_wait3A_9 = tpu.memref_slice %arg3[%dma_wait3A, %mul3A_2, %dma_wait3A_8] : memref<26x128x128xi32, #tpu.memory_space<hbm>> -> memref<26x4x128xi32, #tpu.memory_space<hbm>>
    %dma_wait3A_10 = arith.constant 0 : i32
    %dma_wait3A_11 = arith.constant 0 : i32
    %dma_wait3A_12 = tpu.memref_slice %arg3[%dma_wait3A_10, %mul3A_2, %dma_wait3A_11] : memref<26x128x128xi32, #tpu.memory_space<hbm>> -> memref<26x4x128xi32, #tpu.memory_space<hbm>>
    tpu.wait_dma2 semaphore(%arg8 : memref<!tpu.dma_semaphore, #tpu.memory_space<semaphore_mem>>) src(%dma_wait3A_12 : memref<26x4x128xi32, #tpu.memory_space<hbm>>) dst(%arg5 : memref<26x4x128xi32, #tpu.memory_space<vmem>>)
    %jit3A = arith.constant 8 : i32
    %div3A = vector.broadcast %jit3A : i32 to vector<16xi32>
    %div3A_13 = arith.divsi %iota3A, %div3A : vector<16xi32>
    %sign3A = arith.constant 0 : i32
    %sign3A_14 = vector.broadcast %sign3A : i32 to vector<16xi32>
    %sign3A_15 = arith.cmpi sgt, %iota3A, %sign3A_14 : vector<16xi32>
    %sign3A_16 = arith.extui %sign3A_15 : vector<16xi1> to vector<16xi32>
    %sign3A_17 = arith.constant 0 : i32
    %sign3A_18 = vector.broadcast %sign3A_17 : i32 to vector<16xi32>
    %sign3A_19 = arith.cmpi slt, %iota3A, %sign3A_18 : vector<16xi32>
    %sign3A_20 = arith.extui %sign3A_19 : vector<16xi1> to vector<16xi32>
    %sign3A_21 = arith.subi %sign3A_16, %sign3A_20 : vector<16xi32>
    %sign3A_22 = arith.constant 0 : i32
    %sign3A_23 = arith.cmpi sgt, %jit3A, %sign3A_22 : i32
    %sign3A_24 = arith.extui %sign3A_23 : i1 to i32
    %sign3A_25 = arith.constant 0 : i32
    %sign3A_26 = arith.cmpi slt, %jit3A, %sign3A_25 : i32
    %sign3A_27 = arith.extui %sign3A_26 : i1 to i32
    %sign3A_28 = arith.subi %sign3A_24, %sign3A_27 : i32
    %ne3A = vector.broadcast %sign3A_28 : i32 to vector<16xi32>
    %ne3A_29 = arith.cmpi ne, %sign3A_21, %ne3A : vector<16xi32>
    %rem3A = vector.broadcast %jit3A : i32 to vector<16xi32>
    %rem3A_30 = arith.remsi %iota3A, %rem3A : vector<16xi32>
    %ne3A_31 = arith.constant 0 : i32
    %ne3A_32 = vector.broadcast %ne3A_31 : i32 to vector<16xi32>
    %ne3A_33 = arith.cmpi ne, %rem3A_30, %ne3A_32 : vector<16xi32>
    %and3A = arith.andi %ne3A_29, %ne3A_33 : vector<16xi1>
    %sub3A = arith.constant 1 : i32
    %sub3A_34 = vector.broadcast %sub3A : i32 to vector<16xi32>
    %sub3A_35 = arith.subi %div3A_13, %sub3A_34 : vector<16xi32>
    %select_n3A = arith.select %and3A, %sub3A_35, %div3A_13 : vector<16xi1>, vector<16xi32>
    %jit3A_36 = arith.constant 8 : i32
    %div3A_37 = vector.broadcast %jit3A_36 : i32 to vector<16xi32>
    %div3A_38 = arith.divsi %iota3A, %div3A_37 : vector<16xi32>
    %sign3A_39 = arith.constant 0 : i32
    %sign3A_40 = vector.broadcast %sign3A_39 : i32 to vector<16xi32>
    %sign3A_41 = arith.cmpi sgt, %iota3A, %sign3A_40 : vector<16xi32>
    %sign3A_42 = arith.extui %sign3A_41 : vector<16xi1> to vector<16xi32>
    %sign3A_43 = arith.constant 0 : i32
    %sign3A_44 = vector.broadcast %sign3A_43 : i32 to vector<16xi32>
    %sign3A_45 = arith.cmpi slt, %iota3A, %sign3A_44 : vector<16xi32>
    %sign3A_46 = arith.extui %sign3A_45 : vector<16xi1> to vector<16xi32>
    %sign3A_47 = arith.subi %sign3A_42, %sign3A_46 : vector<16xi32>
    %sign3A_48 = arith.constant 0 : i32
    %sign3A_49 = arith.cmpi sgt, %jit3A_36, %sign3A_48 : i32
    %sign3A_50 = arith.extui %sign3A_49 : i1 to i32
    %sign3A_51 = arith.constant 0 : i32
    %sign3A_52 = arith.cmpi slt, %jit3A_36, %sign3A_51 : i32
    %sign3A_53 = arith.extui %sign3A_52 : i1 to i32
    %sign3A_54 = arith.subi %sign3A_50, %sign3A_53 : i32
    %ne3A_55 = vector.broadcast %sign3A_54 : i32 to vector<16xi32>
    %ne3A_56 = arith.cmpi ne, %sign3A_47, %ne3A_55 : vector<16xi32>
    %rem3A_57 = vector.broadcast %jit3A_36 : i32 to vector<16xi32>
    %rem3A_58 = arith.remsi %iota3A, %rem3A_57 : vector<16xi32>
    %ne3A_59 = arith.constant 0 : i32
    %ne3A_60 = vector.broadcast %ne3A_59 : i32 to vector<16xi32>
    %ne3A_61 = arith.cmpi ne, %rem3A_58, %ne3A_60 : vector<16xi32>
    %and3A_62 = arith.andi %ne3A_56, %ne3A_61 : vector<16xi1>
    %sub3A_63 = arith.constant 1 : i32
    %sub3A_64 = vector.broadcast %sub3A_63 : i32 to vector<16xi32>
    %sub3A_65 = arith.subi %div3A_38, %sub3A_64 : vector<16xi32>
    %select_n3A_66 = arith.select %and3A_62, %sub3A_65, %div3A_38 : vector<16xi1>, vector<16xi32>
    %add3A_67 = arith.constant 2 : i32
    %add3A_68 = vector.broadcast %add3A_67 : i32 to vector<16xi32>
    %add3A_69 = arith.addi %add3A_68, %select_n3A_66 : vector<16xi32>
    %and3A_70 = arith.constant 7 : i32
    %and3A_71 = vector.broadcast %and3A_70 : i32 to vector<16xi32>
    %and3A_72 = arith.andi %iota3A, %and3A_71 : vector<16xi32>
    %dma_start3A_73 = arith.constant 0 : i32
    %dma_start3A_74 = arith.constant 0 : i32
    %dma_start3A_75 = arith.constant 0 : i32
    %dma_start3A_76 = arith.constant 0 : i32
    %dma_start3A_77 = arith.constant 0 : i32
    %dma_start3A_78 = arith.constant 0 : i32
    %dma_start3A_79 = tpu.memref_slice %arg6[%dma_start3A_75, %dma_start3A_77, %dma_start3A_78] : memref<2x512x32xf32, #tpu.memory_space<vmem>> -> memref<1x128x32xf32, #tpu.memory_space<vmem>>
    %dma_start3A_80 = tpu.memref_squeeze %dma_start3A_79 : memref<1x128x32xf32, #tpu.memory_space<vmem>> -> memref<128x32xf32, #tpu.memory_space<vmem>>
    %dma_start3A_81 = arith.constant 0 : i32
    %dma_start3A_82 = tpu.memref_slice %arg5[%dma_start3A_73, %dma_start3A_74, %dma_start3A_81] : memref<26x4x128xi32, #tpu.memory_space<vmem>> -> memref<1x1x128xi32, #tpu.memory_space<vmem>>
    %dma_start3A_83 = tpu.memref_squeeze %dma_start3A_82 : memref<1x1x128xi32, #tpu.memory_space<vmem>> -> memref<128xi32, #tpu.memory_space<vmem>>
    %dma_start3A_84 = arith.constant 0 : i32
    %dma_start3A_85 = arith.constant 0 : i32
    %dma_start3A_86 = tpu.memref_slice %arg2[%dma_start3A_84, %dma_start3A_85] : memref<1000000x32xf32, #tpu.memory_space<hbm>> -> memref<1000000x32xf32, #tpu.memory_space<hbm>>
    %dma_start3A_87 = tpu.memref_slice %arg9[%dma_start3A_76] : memref<2x!tpu.dma_semaphore, #tpu.memory_space<semaphore_mem>> -> memref<1x!tpu.dma_semaphore, #tpu.memory_space<semaphore_mem>>
    %dma_start3A_88 = tpu.memref_squeeze %dma_start3A_87 : memref<1x!tpu.dma_semaphore, #tpu.memory_space<semaphore_mem>> -> memref<!tpu.dma_semaphore, #tpu.memory_space<semaphore_mem>>
    tpu.enqueue_indirect_dma source(%dma_start3A_86 : memref<1000000x32xf32, #tpu.memory_space<hbm>>) target(%dma_start3A_80 : memref<128x32xf32, #tpu.memory_space<vmem>>) offsets(%dma_start3A_83 : memref<128xi32, #tpu.memory_space<vmem>>) semaphore(%dma_start3A_88 : memref<!tpu.dma_semaphore, #tpu.memory_space<semaphore_mem>>)
    %dma_start3A_89 = arith.constant 0 : i32
    %dma_start3A_90 = arith.constant 1 : i32
    %dma_start3A_91 = arith.constant 0 : i32
    %dma_start3A_92 = arith.constant 0 : i32
    %dma_start3A_93 = arith.constant 128 : i32
    %dma_start3A_94 = arith.constant 0 : i32
    %dma_start3A_95 = tpu.memref_slice %arg6[%dma_start3A_91, %dma_start3A_93, %dma_start3A_94] : memref<2x512x32xf32, #tpu.memory_space<vmem>> -> memref<1x128x32xf32, #tpu.memory_space<vmem>>
    %dma_start3A_96 = tpu.memref_squeeze %dma_start3A_95 : memref<1x128x32xf32, #tpu.memory_space<vmem>> -> memref<128x32xf32, #tpu.memory_space<vmem>>
    %dma_start3A_97 = arith.constant 0 : i32
    %dma_start3A_98 = tpu.memref_slice %arg5[%dma_start3A_89, %dma_start3A_90, %dma_start3A_97] : memref<26x4x128xi32, #tpu.memory_space<vmem>> -> memref<1x1x128xi32, #tpu.memory_space<vmem>>
    %dma_start3A_99 = tpu.memref_squeeze %dma_start3A_98 : memref<1x1x128xi32, #tpu.memory_space<vmem>> -> memref<128xi32, #tpu.memory_space<vmem>>
    %dma_start3A_100 = arith.constant 0 : i32
    %dma_start3A_101 = arith.constant 0 : i32
    %dma_start3A_102 = tpu.memref_slice %arg2[%dma_start3A_100, %dma_start3A_101] : memref<1000000x32xf32, #tpu.memory_space<hbm>> -> memref<1000000x32xf32, #tpu.memory_space<hbm>>
    %dma_start3A_103 = tpu.memref_slice %arg9[%dma_start3A_92] : memref<2x!tpu.dma_semaphore, #tpu.memory_space<semaphore_mem>> -> memref<1x!tpu.dma_semaphore, #tpu.memory_space<semaphore_mem>>
    %dma_start3A_104 = tpu.memref_squeeze %dma_start3A_103 : memref<1x!tpu.dma_semaphore, #tpu.memory_space<semaphore_mem>> -> memref<!tpu.dma_semaphore, #tpu.memory_space<semaphore_mem>>
    tpu.enqueue_indirect_dma source(%dma_start3A_102 : memref<1000000x32xf32, #tpu.memory_space<hbm>>) target(%dma_start3A_96 : memref<128x32xf32, #tpu.memory_space<vmem>>) offsets(%dma_start3A_99 : memref<128xi32, #tpu.memory_space<vmem>>) semaphore(%dma_start3A_104 : memref<!tpu.dma_semaphore, #tpu.memory_space<semaphore_mem>>)
    %dma_start3A_105 = arith.constant 0 : i32
    %dma_start3A_106 = arith.constant 2 : i32
    %dma_start3A_107 = arith.constant 0 : i32
    %dma_start3A_108 = arith.constant 0 : i32
    %dma_start3A_109 = arith.constant 256 : i32
    %dma_start3A_110 = arith.constant 0 : i32
    %dma_start3A_111 = tpu.memref_slice %arg6[%dma_start3A_107, %dma_start3A_109, %dma_start3A_110] : memref<2x512x32xf32, #tpu.memory_space<vmem>> -> memref<1x128x32xf32, #tpu.memory_space<vmem>>
    %dma_start3A_112 = tpu.memref_squeeze %dma_start3A_111 : memref<1x128x32xf32, #tpu.memory_space<vmem>> -> memref<128x32xf32, #tpu.memory_space<vmem>>
    %dma_start3A_113 = arith.constant 0 : i32
    %dma_start3A_114 = tpu.memref_slice %arg5[%dma_start3A_105, %dma_start3A_106, %dma_start3A_113] : memref<26x4x128xi32, #tpu.memory_space<vmem>> -> memref<1x1x128xi32, #tpu.memory_space<vmem>>
    %dma_start3A_115 = tpu.memref_squeeze %dma_start3A_114 : memref<1x1x128xi32, #tpu.memory_space<vmem>> -> memref<128xi32, #tpu.memory_space<vmem>>
    %dma_start3A_116 = arith.constant 0 : i32
    %dma_start3A_117 = arith.constant 0 : i32
    %dma_start3A_118 = tpu.memref_slice %arg2[%dma_start3A_116, %dma_start3A_117] : memref<1000000x32xf32, #tpu.memory_space<hbm>> -> memref<1000000x32xf32, #tpu.memory_space<hbm>>
    %dma_start3A_119 = tpu.memref_slice %arg9[%dma_start3A_108] : memref<2x!tpu.dma_semaphore, #tpu.memory_space<semaphore_mem>> -> memref<1x!tpu.dma_semaphore, #tpu.memory_space<semaphore_mem>>
    %dma_start3A_120 = tpu.memref_squeeze %dma_start3A_119 : memref<1x!tpu.dma_semaphore, #tpu.memory_space<semaphore_mem>> -> memref<!tpu.dma_semaphore, #tpu.memory_space<semaphore_mem>>
    tpu.enqueue_indirect_dma source(%dma_start3A_118 : memref<1000000x32xf32, #tpu.memory_space<hbm>>) target(%dma_start3A_112 : memref<128x32xf32, #tpu.memory_space<vmem>>) offsets(%dma_start3A_115 : memref<128xi32, #tpu.memory_space<vmem>>) semaphore(%dma_start3A_120 : memref<!tpu.dma_semaphore, #tpu.memory_space<semaphore_mem>>)
    %dma_start3A_121 = arith.constant 0 : i32
    %dma_start3A_122 = arith.constant 3 : i32
    %dma_start3A_123 = arith.constant 0 : i32
    %dma_start3A_124 = arith.constant 0 : i32
    %dma_start3A_125 = arith.constant 384 : i32
    %dma_start3A_126 = arith.constant 0 : i32
    %dma_start3A_127 = tpu.memref_slice %arg6[%dma_start3A_123, %dma_start3A_125, %dma_start3A_126] : memref<2x512x32xf32, #tpu.memory_space<vmem>> -> memref<1x128x32xf32, #tpu.memory_space<vmem>>
    %dma_start3A_128 = tpu.memref_squeeze %dma_start3A_127 : memref<1x128x32xf32, #tpu.memory_space<vmem>> -> memref<128x32xf32, #tpu.memory_space<vmem>>
    %dma_start3A_129 = arith.constant 0 : i32
    %dma_start3A_130 = tpu.memref_slice %arg5[%dma_start3A_121, %dma_start3A_122, %dma_start3A_129] : memref<26x4x128xi32, #tpu.memory_space<vmem>> -> memref<1x1x128xi32, #tpu.memory_space<vmem>>
    %dma_start3A_131 = tpu.memref_squeeze %dma_start3A_130 : memref<1x1x128xi32, #tpu.memory_space<vmem>> -> memref<128xi32, #tpu.memory_space<vmem>>
    %dma_start3A_132 = arith.constant 0 : i32
    %dma_start3A_133 = arith.constant 0 : i32
    %dma_start3A_134 = tpu.memref_slice %arg2[%dma_start3A_132, %dma_start3A_133] : memref<1000000x32xf32, #tpu.memory_space<hbm>> -> memref<1000000x32xf32, #tpu.memory_space<hbm>>
    %dma_start3A_135 = tpu.memref_slice %arg9[%dma_start3A_124] : memref<2x!tpu.dma_semaphore, #tpu.memory_space<semaphore_mem>> -> memref<1x!tpu.dma_semaphore, #tpu.memory_space<semaphore_mem>>
    %dma_start3A_136 = tpu.memref_squeeze %dma_start3A_135 : memref<1x!tpu.dma_semaphore, #tpu.memory_space<semaphore_mem>> -> memref<!tpu.dma_semaphore, #tpu.memory_space<semaphore_mem>>
    tpu.enqueue_indirect_dma source(%dma_start3A_134 : memref<1000000x32xf32, #tpu.memory_space<hbm>>) target(%dma_start3A_128 : memref<128x32xf32, #tpu.memory_space<vmem>>) offsets(%dma_start3A_131 : memref<128xi32, #tpu.memory_space<vmem>>) semaphore(%dma_start3A_136 : memref<!tpu.dma_semaphore, #tpu.memory_space<semaphore_mem>>)
    %scan3A = arith.constant 0 : i32
    %scan3A_137 = arith.constant 0 : i32
    %scan3A_138 = arith.constant 26 : i32
    %scan3A_139 = arith.addi %scan3A_137, %scan3A_138 : i32
    %scan3A_140 = arith.constant 1 : i32
    scf.for %scan3A_358 = %scan3A_137 to %scan3A_139 step %scan3A_140  : i32 {
      %and3A_359 = arith.constant 1 : i32
      %and3A_360 = arith.andi %scan3A_358, %and3A_359 : i32
      %sub3A_361 = arith.constant 1 : i32
      %sub3A_362 = arith.subi %sub3A_361, %and3A_360 : i32
      %add3A_363 = arith.constant 1 : i32
      %add3A_364 = arith.addi %scan3A_358, %add3A_363 : i32
      %lt3A = arith.constant 26 : i32
      %lt3A_365 = arith.cmpi slt, %add3A_364, %lt3A : i32
      %convert_element_type3A = arith.extui %lt3A_365 : i1 to i32
      %cond3A = arith.constant 0 : i32
      %cond3A_366 = arith.cmpi ne, %convert_element_type3A, %cond3A : i32
      scf.if %cond3A_366 {
        %add3A_489 = arith.constant 1 : i32
        %add3A_490 = arith.addi %scan3A_358, %add3A_489 : i32
        %dma_start3A_491 = arith.constant 0 : i32
        %dma_start3A_492 = arith.constant 0 : i32
        %dma_start3A_493 = arith.constant 0 : i32
        %dma_start3A_494 = tpu.memref_slice %arg6[%sub3A_362, %dma_start3A_492, %dma_start3A_493] : memref<2x512x32xf32, #tpu.memory_space<vmem>> -> memref<1x128x32xf32, #tpu.memory_space<vmem>>
        %dma_start3A_495 = tpu.memref_squeeze %dma_start3A_494 : memref<1x128x32xf32, #tpu.memory_space<vmem>> -> memref<128x32xf32, #tpu.memory_space<vmem>>
        %dma_start3A_496 = arith.constant 0 : i32
        %dma_start3A_497 = tpu.memref_slice %arg5[%add3A_490, %dma_start3A_491, %dma_start3A_496] : memref<26x4x128xi32, #tpu.memory_space<vmem>> -> memref<1x1x128xi32, #tpu.memory_space<vmem>>
        %dma_start3A_498 = tpu.memref_squeeze %dma_start3A_497 : memref<1x1x128xi32, #tpu.memory_space<vmem>> -> memref<128xi32, #tpu.memory_space<vmem>>
        %dma_start3A_499 = arith.constant 0 : i32
        %dma_start3A_500 = arith.constant 0 : i32
        %dma_start3A_501 = tpu.memref_slice %arg2[%dma_start3A_499, %dma_start3A_500] : memref<1000000x32xf32, #tpu.memory_space<hbm>> -> memref<1000000x32xf32, #tpu.memory_space<hbm>>
        %dma_start3A_502 = tpu.memref_slice %arg9[%sub3A_362] : memref<2x!tpu.dma_semaphore, #tpu.memory_space<semaphore_mem>> -> memref<1x!tpu.dma_semaphore, #tpu.memory_space<semaphore_mem>>
        %dma_start3A_503 = tpu.memref_squeeze %dma_start3A_502 : memref<1x!tpu.dma_semaphore, #tpu.memory_space<semaphore_mem>> -> memref<!tpu.dma_semaphore, #tpu.memory_space<semaphore_mem>>
        tpu.enqueue_indirect_dma source(%dma_start3A_501 : memref<1000000x32xf32, #tpu.memory_space<hbm>>) target(%dma_start3A_495 : memref<128x32xf32, #tpu.memory_space<vmem>>) offsets(%dma_start3A_498 : memref<128xi32, #tpu.memory_space<vmem>>) semaphore(%dma_start3A_503 : memref<!tpu.dma_semaphore, #tpu.memory_space<semaphore_mem>>)
        %dma_start3A_504 = arith.constant 1 : i32
        %dma_start3A_505 = arith.constant 128 : i32
        %dma_start3A_506 = arith.constant 0 : i32
        %dma_start3A_507 = tpu.memref_slice %arg6[%sub3A_362, %dma_start3A_505, %dma_start3A_506] : memref<2x512x32xf32, #tpu.memory_space<vmem>> -> memref<1x128x32xf32, #tpu.memory_space<vmem>>
        %dma_start3A_508 = tpu.memref_squeeze %dma_start3A_507 : memref<1x128x32xf32, #tpu.memory_space<vmem>> -> memref<128x32xf32, #tpu.memory_space<vmem>>
        %dma_start3A_509 = arith.constant 0 : i32
        %dma_start3A_510 = tpu.memref_slice %arg5[%add3A_490, %dma_start3A_504, %dma_start3A_509] : memref<26x4x128xi32, #tpu.memory_space<vmem>> -> memref<1x1x128xi32, #tpu.memory_space<vmem>>
        %dma_start3A_511 = tpu.memref_squeeze %dma_start3A_510 : memref<1x1x128xi32, #tpu.memory_space<vmem>> -> memref<128xi32, #tpu.memory_space<vmem>>
        %dma_start3A_512 = arith.constant 0 : i32
        %dma_start3A_513 = arith.constant 0 : i32
        %dma_start3A_514 = tpu.memref_slice %arg2[%dma_start3A_512, %dma_start3A_513] : memref<1000000x32xf32, #tpu.memory_space<hbm>> -> memref<1000000x32xf32, #tpu.memory_space<hbm>>
        %dma_start3A_515 = tpu.memref_slice %arg9[%sub3A_362] : memref<2x!tpu.dma_semaphore, #tpu.memory_space<semaphore_mem>> -> memref<1x!tpu.dma_semaphore, #tpu.memory_space<semaphore_mem>>
        %dma_start3A_516 = tpu.memref_squeeze %dma_start3A_515 : memref<1x!tpu.dma_semaphore, #tpu.memory_space<semaphore_mem>> -> memref<!tpu.dma_semaphore, #tpu.memory_space<semaphore_mem>>
        tpu.enqueue_indirect_dma source(%dma_start3A_514 : memref<1000000x32xf32, #tpu.memory_space<hbm>>) target(%dma_start3A_508 : memref<128x32xf32, #tpu.memory_space<vmem>>) offsets(%dma_start3A_511 : memref<128xi32, #tpu.memory_space<vmem>>) semaphore(%dma_start3A_516 : memref<!tpu.dma_semaphore, #tpu.memory_space<semaphore_mem>>)
        %dma_start3A_517 = arith.constant 2 : i32
        %dma_start3A_518 = arith.constant 256 : i32
        %dma_start3A_519 = arith.constant 0 : i32
        %dma_start3A_520 = tpu.memref_slice %arg6[%sub3A_362, %dma_start3A_518, %dma_start3A_519] : memref<2x512x32xf32, #tpu.memory_space<vmem>> -> memref<1x128x32xf32, #tpu.memory_space<vmem>>
        %dma_start3A_521 = tpu.memref_squeeze %dma_start3A_520 : memref<1x128x32xf32, #tpu.memory_space<vmem>> -> memref<128x32xf32, #tpu.memory_space<vmem>>
        %dma_start3A_522 = arith.constant 0 : i32
        %dma_start3A_523 = tpu.memref_slice %arg5[%add3A_490, %dma_start3A_517, %dma_start3A_522] : memref<26x4x128xi32, #tpu.memory_space<vmem>> -> memref<1x1x128xi32, #tpu.memory_space<vmem>>
        %dma_start3A_524 = tpu.memref_squeeze %dma_start3A_523 : memref<1x1x128xi32, #tpu.memory_space<vmem>> -> memref<128xi32, #tpu.memory_space<vmem>>
        %dma_start3A_525 = arith.constant 0 : i32
        %dma_start3A_526 = arith.constant 0 : i32
        %dma_start3A_527 = tpu.memref_slice %arg2[%dma_start3A_525, %dma_start3A_526] : memref<1000000x32xf32, #tpu.memory_space<hbm>> -> memref<1000000x32xf32, #tpu.memory_space<hbm>>
        %dma_start3A_528 = tpu.memref_slice %arg9[%sub3A_362] : memref<2x!tpu.dma_semaphore, #tpu.memory_space<semaphore_mem>> -> memref<1x!tpu.dma_semaphore, #tpu.memory_space<semaphore_mem>>
        %dma_start3A_529 = tpu.memref_squeeze %dma_start3A_528 : memref<1x!tpu.dma_semaphore, #tpu.memory_space<semaphore_mem>> -> memref<!tpu.dma_semaphore, #tpu.memory_space<semaphore_mem>>
        tpu.enqueue_indirect_dma source(%dma_start3A_527 : memref<1000000x32xf32, #tpu.memory_space<hbm>>) target(%dma_start3A_521 : memref<128x32xf32, #tpu.memory_space<vmem>>) offsets(%dma_start3A_524 : memref<128xi32, #tpu.memory_space<vmem>>) semaphore(%dma_start3A_529 : memref<!tpu.dma_semaphore, #tpu.memory_space<semaphore_mem>>)
        %dma_start3A_530 = arith.constant 3 : i32
        %dma_start3A_531 = arith.constant 384 : i32
        %dma_start3A_532 = arith.constant 0 : i32
        %dma_start3A_533 = tpu.memref_slice %arg6[%sub3A_362, %dma_start3A_531, %dma_start3A_532] : memref<2x512x32xf32, #tpu.memory_space<vmem>> -> memref<1x128x32xf32, #tpu.memory_space<vmem>>
        %dma_start3A_534 = tpu.memref_squeeze %dma_start3A_533 : memref<1x128x32xf32, #tpu.memory_space<vmem>> -> memref<128x32xf32, #tpu.memory_space<vmem>>
        %dma_start3A_535 = arith.constant 0 : i32
        %dma_start3A_536 = tpu.memref_slice %arg5[%add3A_490, %dma_start3A_530, %dma_start3A_535] : memref<26x4x128xi32, #tpu.memory_space<vmem>> -> memref<1x1x128xi32, #tpu.memory_space<vmem>>
        %dma_start3A_537 = tpu.memref_squeeze %dma_start3A_536 : memref<1x1x128xi32, #tpu.memory_space<vmem>> -> memref<128xi32, #tpu.memory_space<vmem>>
        %dma_start3A_538 = arith.constant 0 : i32
        %dma_start3A_539 = arith.constant 0 : i32
        %dma_start3A_540 = tpu.memref_slice %arg2[%dma_start3A_538, %dma_start3A_539] : memref<1000000x32xf32, #tpu.memory_space<hbm>> -> memref<1000000x32xf32, #tpu.memory_space<hbm>>
        %dma_start3A_541 = tpu.memref_slice %arg9[%sub3A_362] : memref<2x!tpu.dma_semaphore, #tpu.memory_space<semaphore_mem>> -> memref<1x!tpu.dma_semaphore, #tpu.memory_space<semaphore_mem>>
        %dma_start3A_542 = tpu.memref_squeeze %dma_start3A_541 : memref<1x!tpu.dma_semaphore, #tpu.memory_space<semaphore_mem>> -> memref<!tpu.dma_semaphore, #tpu.memory_space<semaphore_mem>>
        tpu.enqueue_indirect_dma source(%dma_start3A_540 : memref<1000000x32xf32, #tpu.memory_space<hbm>>) target(%dma_start3A_534 : memref<128x32xf32, #tpu.memory_space<vmem>>) offsets(%dma_start3A_537 : memref<128xi32, #tpu.memory_space<vmem>>) semaphore(%dma_start3A_542 : memref<!tpu.dma_semaphore, #tpu.memory_space<semaphore_mem>>)
      } else {
      }
      %dma_wait3A_367 = arith.constant 0 : i32
      %dma_wait3A_368 = arith.constant 0 : i32
      %dma_wait3A_369 = tpu.memref_slice %arg6[%and3A_360, %dma_wait3A_367, %dma_wait3A_368] : memref<2x512x32xf32, #tpu.memory_space<vmem>> -> memref<1x512x32xf32, #tpu.memory_space<vmem>>
      %dma_wait3A_370 = tpu.memref_squeeze %dma_wait3A_369 : memref<1x512x32xf32, #tpu.memory_space<vmem>> -> memref<512x32xf32, #tpu.memory_space<vmem>>
      %dma_wait3A_371 = arith.constant 0 : i32
      %dma_wait3A_372 = arith.constant 0 : i32
      %dma_wait3A_373 = tpu.memref_slice %arg2[%dma_wait3A_371, %dma_wait3A_372] : memref<1000000x32xf32, #tpu.memory_space<hbm>> -> memref<512x32xf32, #tpu.memory_space<hbm>>
      %dma_wait3A_374 = tpu.memref_slice %arg9[%and3A_360] : memref<2x!tpu.dma_semaphore, #tpu.memory_space<semaphore_mem>> -> memref<1x!tpu.dma_semaphore, #tpu.memory_space<semaphore_mem>>
      %dma_wait3A_375 = tpu.memref_squeeze %dma_wait3A_374 : memref<1x!tpu.dma_semaphore, #tpu.memory_space<semaphore_mem>> -> memref<!tpu.dma_semaphore, #tpu.memory_space<semaphore_mem>>
      %dma_wait3A_376 = arith.constant 0 : i32
      %dma_wait3A_377 = arith.constant 0 : i32
      %dma_wait3A_378 = tpu.memref_slice %arg6[%and3A_360, %dma_wait3A_376, %dma_wait3A_377] : memref<2x512x32xf32, #tpu.memory_space<vmem>> -> memref<1x512x32xf32, #tpu.memory_space<vmem>>
      %dma_wait3A_379 = tpu.memref_squeeze %dma_wait3A_378 : memref<1x512x32xf32, #tpu.memory_space<vmem>> -> memref<512x32xf32, #tpu.memory_space<vmem>>
      %dma_wait3A_380 = arith.constant 0 : i32
      %dma_wait3A_381 = arith.constant 0 : i32
      %dma_wait3A_382 = tpu.memref_slice %arg2[%dma_wait3A_380, %dma_wait3A_381] : memref<1000000x32xf32, #tpu.memory_space<hbm>> -> memref<512x32xf32, #tpu.memory_space<hbm>>
      tpu.wait_dma2 semaphore(%dma_wait3A_375 : memref<!tpu.dma_semaphore, #tpu.memory_space<semaphore_mem>>) src(%dma_wait3A_382 : memref<512x32xf32, #tpu.memory_space<hbm>>) dst(%dma_wait3A_379 : memref<512x32xf32, #tpu.memory_space<vmem>>)
      %ge3A = arith.constant 2 : i32
      %ge3A_383 = arith.cmpi sge, %scan3A_358, %ge3A : i32
      %convert_element_type3A_384 = arith.extui %ge3A_383 : i1 to i32
      %cond3A_385 = arith.constant 0 : i32
      %cond3A_386 = arith.cmpi ne, %convert_element_type3A_384, %cond3A_385 : i32
      scf.if %cond3A_386 {
        %dma_wait3A_489 = arith.constant 0 : i32
        %dma_wait3A_490 = arith.constant 0 : i32
        %dma_wait3A_491 = arith.constant 0 : i32
        %dma_wait3A_492 = arith.constant 0 : i32
        %dma_wait3A_493 = arith.constant 0 : i32
        %dma_wait3A_494 = arith.constant 0 : i32
        %dma_wait3A_495 = tpu.memref_slice %arg7[%and3A_360, %dma_wait3A_489, %dma_wait3A_492, %dma_wait3A_493, %dma_wait3A_494] : memref<2x4x5x8x129xf32, #tpu.memory_space<vmem>> -> memref<1x1x4x8x128xf32, #tpu.memory_space<vmem>>
        %dma_wait3A_496 = tpu.memref_squeeze %dma_wait3A_495 : memref<1x1x4x8x128xf32, #tpu.memory_space<vmem>> -> memref<4x8x128xf32, #tpu.memory_space<vmem>>
        %dma_wait3A_497 = arith.constant 0 : i32
        %dma_wait3A_498 = arith.constant 0 : i32
        %dma_wait3A_499 = arith.constant 0 : i32
        %dma_wait3A_500 = tpu.memref_slice %arg4[%dma_wait3A_490, %dma_wait3A_491, %dma_wait3A_497, %dma_wait3A_498, %dma_wait3A_499] : memref<26x4x128x8x128xf32, #tpu.memory_space<hbm>> -> memref<1x1x4x8x128xf32, #tpu.memory_space<hbm>>
        %dma_wait3A_501 = tpu.memref_squeeze %dma_wait3A_500 : memref<1x1x4x8x128xf32, #tpu.memory_space<hbm>> -> memref<4x8x128xf32, #tpu.memory_space<hbm>>
        %dma_wait3A_502 = tpu.memref_slice %arg10[%and3A_360] : memref<2x!tpu.dma_semaphore, #tpu.memory_space<semaphore_mem>> -> memref<1x!tpu.dma_semaphore, #tpu.memory_space<semaphore_mem>>
        %dma_wait3A_503 = tpu.memref_squeeze %dma_wait3A_502 : memref<1x!tpu.dma_semaphore, #tpu.memory_space<semaphore_mem>> -> memref<!tpu.dma_semaphore, #tpu.memory_space<semaphore_mem>>
        %dma_wait3A_504 = arith.constant 0 : i32
        %dma_wait3A_505 = arith.constant 0 : i32
        %dma_wait3A_506 = arith.constant 0 : i32
        %dma_wait3A_507 = tpu.memref_slice %arg4[%dma_wait3A_490, %dma_wait3A_491, %dma_wait3A_504, %dma_wait3A_505, %dma_wait3A_506] : memref<26x4x128x8x128xf32, #tpu.memory_space<hbm>> -> memref<1x1x4x8x128xf32, #tpu.memory_space<hbm>>
        %dma_wait3A_508 = tpu.memref_squeeze %dma_wait3A_507 : memref<1x1x4x8x128xf32, #tpu.memory_space<hbm>> -> memref<4x8x128xf32, #tpu.memory_space<hbm>>
        %dma_wait3A_509 = arith.constant 0 : i32
        %dma_wait3A_510 = arith.constant 0 : i32
        %dma_wait3A_511 = arith.constant 0 : i32
        %dma_wait3A_512 = tpu.memref_slice %arg7[%and3A_360, %dma_wait3A_489, %dma_wait3A_509, %dma_wait3A_510, %dma_wait3A_511] : memref<2x4x5x8x129xf32, #tpu.memory_space<vmem>> -> memref<1x1x4x8x128xf32, #tpu.memory_space<vmem>>
        %dma_wait3A_513 = tpu.memref_squeeze %dma_wait3A_512 : memref<1x1x4x8x128xf32, #tpu.memory_space<vmem>> -> memref<4x8x128xf32, #tpu.memory_space<vmem>>
        tpu.wait_dma2 semaphore(%dma_wait3A_503 : memref<!tpu.dma_semaphore, #tpu.memory_space<semaphore_mem>>) src(%dma_wait3A_513 : memref<4x8x128xf32, #tpu.memory_space<vmem>>) dst(%dma_wait3A_508 : memref<4x8x128xf32, #tpu.memory_space<hbm>>)
        %dma_wait3A_514 = arith.constant 0 : i32
        %dma_wait3A_515 = arith.constant 0 : i32
        %dma_wait3A_516 = arith.constant 0 : i32
        %dma_wait3A_517 = arith.constant 0 : i32
        %dma_wait3A_518 = arith.constant 0 : i32
        %dma_wait3A_519 = arith.constant 0 : i32
        %dma_wait3A_520 = tpu.memref_slice %arg7[%and3A_360, %dma_wait3A_514, %dma_wait3A_517, %dma_wait3A_518, %dma_wait3A_519] : memref<2x4x5x8x129xf32, #tpu.memory_space<vmem>> -> memref<1x1x4x8x128xf32, #tpu.memory_space<vmem>>
        %dma_wait3A_521 = tpu.memref_squeeze %dma_wait3A_520 : memref<1x1x4x8x128xf32, #tpu.memory_space<vmem>> -> memref<4x8x128xf32, #tpu.memory_space<vmem>>
        %dma_wait3A_522 = arith.constant 0 : i32
        %dma_wait3A_523 = arith.constant 0 : i32
        %dma_wait3A_524 = arith.constant 0 : i32
        %dma_wait3A_525 = tpu.memref_slice %arg4[%dma_wait3A_515, %dma_wait3A_516, %dma_wait3A_522, %dma_wait3A_523, %dma_wait3A_524] : memref<26x4x128x8x128xf32, #tpu.memory_space<hbm>> -> memref<1x1x4x8x128xf32, #tpu.memory_space<hbm>>
        %dma_wait3A_526 = tpu.memref_squeeze %dma_wait3A_525 : memref<1x1x4x8x128xf32, #tpu.memory_space<hbm>> -> memref<4x8x128xf32, #tpu.memory_space<hbm>>
        %dma_wait3A_527 = tpu.memref_slice %arg10[%and3A_360] : memref<2x!tpu.dma_semaphore, #tpu.memory_space<semaphore_mem>> -> memref<1x!tpu.dma_semaphore, #tpu.memory_space<semaphore_mem>>
        %dma_wait3A_528 = tpu.memref_squeeze %dma_wait3A_527 : memref<1x!tpu.dma_semaphore, #tpu.memory_space<semaphore_mem>> -> memref<!tpu.dma_semaphore, #tpu.memory_space<semaphore_mem>>
        %dma_wait3A_529 = arith.constant 0 : i32
        %dma_wait3A_530 = arith.constant 0 : i32
        %dma_wait3A_531 = arith.constant 0 : i32
        %dma_wait3A_532 = tpu.memref_slice %arg4[%dma_wait3A_515, %dma_wait3A_516, %dma_wait3A_529, %dma_wait3A_530, %dma_wait3A_531] : memref<26x4x128x8x128xf32, #tpu.memory_space<hbm>> -> memref<1x1x4x8x128xf32, #tpu.memory_space<hbm>>
        %dma_wait3A_533 = tpu.memref_squeeze %dma_wait3A_532 : memref<1x1x4x8x128xf32, #tpu.memory_space<hbm>> -> memref<4x8x128xf32, #tpu.memory_space<hbm>>
        %dma_wait3A_534 = arith.constant 0 : i32
        %dma_wait3A_535 = arith.constant 0 : i32
        %dma_wait3A_536 = arith.constant 0 : i32
        %dma_wait3A_537 = tpu.memref_slice %arg7[%and3A_360, %dma_wait3A_514, %dma_wait3A_534, %dma_wait3A_535, %dma_wait3A_536] : memref<2x4x5x8x129xf32, #tpu.memory_space<vmem>> -> memref<1x1x4x8x128xf32, #tpu.memory_space<vmem>>
        %dma_wait3A_538 = tpu.memref_squeeze %dma_wait3A_537 : memref<1x1x4x8x128xf32, #tpu.memory_space<vmem>> -> memref<4x8x128xf32, #tpu.memory_space<vmem>>
        tpu.wait_dma2 semaphore(%dma_wait3A_528 : memref<!tpu.dma_semaphore, #tpu.memory_space<semaphore_mem>>) src(%dma_wait3A_538 : memref<4x8x128xf32, #tpu.memory_space<vmem>>) dst(%dma_wait3A_533 : memref<4x8x128xf32, #tpu.memory_space<hbm>>)
        %dma_wait3A_539 = arith.constant 0 : i32
        %dma_wait3A_540 = arith.constant 0 : i32
        %dma_wait3A_541 = arith.constant 0 : i32
        %dma_wait3A_542 = arith.constant 0 : i32
        %dma_wait3A_543 = arith.constant 0 : i32
        %dma_wait3A_544 = arith.constant 0 : i32
        %dma_wait3A_545 = tpu.memref_slice %arg7[%and3A_360, %dma_wait3A_539, %dma_wait3A_542, %dma_wait3A_543, %dma_wait3A_544] : memref<2x4x5x8x129xf32, #tpu.memory_space<vmem>> -> memref<1x1x4x8x128xf32, #tpu.memory_space<vmem>>
        %dma_wait3A_546 = tpu.memref_squeeze %dma_wait3A_545 : memref<1x1x4x8x128xf32, #tpu.memory_space<vmem>> -> memref<4x8x128xf32, #tpu.memory_space<vmem>>
        %dma_wait3A_547 = arith.constant 0 : i32
        %dma_wait3A_548 = arith.constant 0 : i32
        %dma_wait3A_549 = arith.constant 0 : i32
        %dma_wait3A_550 = tpu.memref_slice %arg4[%dma_wait3A_540, %dma_wait3A_541, %dma_wait3A_547, %dma_wait3A_548, %dma_wait3A_549] : memref<26x4x128x8x128xf32, #tpu.memory_space<hbm>> -> memref<1x1x4x8x128xf32, #tpu.memory_space<hbm>>
        %dma_wait3A_551 = tpu.memref_squeeze %dma_wait3A_550 : memref<1x1x4x8x128xf32, #tpu.memory_space<hbm>> -> memref<4x8x128xf32, #tpu.memory_space<hbm>>
        %dma_wait3A_552 = tpu.memref_slice %arg10[%and3A_360] : memref<2x!tpu.dma_semaphore, #tpu.memory_space<semaphore_mem>> -> memref<1x!tpu.dma_semaphore, #tpu.memory_space<semaphore_mem>>
        %dma_wait3A_553 = tpu.memref_squeeze %dma_wait3A_552 : memref<1x!tpu.dma_semaphore, #tpu.memory_space<semaphore_mem>> -> memref<!tpu.dma_semaphore, #tpu.memory_space<semaphore_mem>>
        %dma_wait3A_554 = arith.constant 0 : i32
        %dma_wait3A_555 = arith.constant 0 : i32
        %dma_wait3A_556 = arith.constant 0 : i32
        %dma_wait3A_557 = tpu.memref_slice %arg4[%dma_wait3A_540, %dma_wait3A_541, %dma_wait3A_554, %dma_wait3A_555, %dma_wait3A_556] : memref<26x4x128x8x128xf32, #tpu.memory_space<hbm>> -> memref<1x1x4x8x128xf32, #tpu.memory_space<hbm>>
        %dma_wait3A_558 = tpu.memref_squeeze %dma_wait3A_557 : memref<1x1x4x8x128xf32, #tpu.memory_space<hbm>> -> memref<4x8x128xf32, #tpu.memory_space<hbm>>
        %dma_wait3A_559 = arith.constant 0 : i32
        %dma_wait3A_560 = arith.constant 0 : i32
        %dma_wait3A_561 = arith.constant 0 : i32
        %dma_wait3A_562 = tpu.memref_slice %arg7[%and3A_360, %dma_wait3A_539, %dma_wait3A_559, %dma_wait3A_560, %dma_wait3A_561] : memref<2x4x5x8x129xf32, #tpu.memory_space<vmem>> -> memref<1x1x4x8x128xf32, #tpu.memory_space<vmem>>
        %dma_wait3A_563 = tpu.memref_squeeze %dma_wait3A_562 : memref<1x1x4x8x128xf32, #tpu.memory_space<vmem>> -> memref<4x8x128xf32, #tpu.memory_space<vmem>>
        tpu.wait_dma2 semaphore(%dma_wait3A_553 : memref<!tpu.dma_semaphore, #tpu.memory_space<semaphore_mem>>) src(%dma_wait3A_563 : memref<4x8x128xf32, #tpu.memory_space<vmem>>) dst(%dma_wait3A_558 : memref<4x8x128xf32, #tpu.memory_space<hbm>>)
        %dma_wait3A_564 = arith.constant 0 : i32
        %dma_wait3A_565 = arith.constant 0 : i32
        %dma_wait3A_566 = arith.constant 0 : i32
        %dma_wait3A_567 = arith.constant 0 : i32
        %dma_wait3A_568 = arith.constant 0 : i32
        %dma_wait3A_569 = arith.constant 0 : i32
        %dma_wait3A_570 = tpu.memref_slice %arg7[%and3A_360, %dma_wait3A_564, %dma_wait3A_567, %dma_wait3A_568, %dma_wait3A_569] : memref<2x4x5x8x129xf32, #tpu.memory_space<vmem>> -> memref<1x1x4x8x128xf32, #tpu.memory_space<vmem>>
        %dma_wait3A_571 = tpu.memref_squeeze %dma_wait3A_570 : memref<1x1x4x8x128xf32, #tpu.memory_space<vmem>> -> memref<4x8x128xf32, #tpu.memory_space<vmem>>
        %dma_wait3A_572 = arith.constant 0 : i32
        %dma_wait3A_573 = arith.constant 0 : i32
        %dma_wait3A_574 = arith.constant 0 : i32
        %dma_wait3A_575 = tpu.memref_slice %arg4[%dma_wait3A_565, %dma_wait3A_566, %dma_wait3A_572, %dma_wait3A_573, %dma_wait3A_574] : memref<26x4x128x8x128xf32, #tpu.memory_space<hbm>> -> memref<1x1x4x8x128xf32, #tpu.memory_space<hbm>>
        %dma_wait3A_576 = tpu.memref_squeeze %dma_wait3A_575 : memref<1x1x4x8x128xf32, #tpu.memory_space<hbm>> -> memref<4x8x128xf32, #tpu.memory_space<hbm>>
        %dma_wait3A_577 = tpu.memref_slice %arg10[%and3A_360] : memref<2x!tpu.dma_semaphore, #tpu.memory_space<semaphore_mem>> -> memref<1x!tpu.dma_semaphore, #tpu.memory_space<semaphore_mem>>
        %dma_wait3A_578 = tpu.memref_squeeze %dma_wait3A_577 : memref<1x!tpu.dma_semaphore, #tpu.memory_space<semaphore_mem>> -> memref<!tpu.dma_semaphore, #tpu.memory_space<semaphore_mem>>
        %dma_wait3A_579 = arith.constant 0 : i32
        %dma_wait3A_580 = arith.constant 0 : i32
        %dma_wait3A_581 = arith.constant 0 : i32
        %dma_wait3A_582 = tpu.memref_slice %arg4[%dma_wait3A_565, %dma_wait3A_566, %dma_wait3A_579, %dma_wait3A_580, %dma_wait3A_581] : memref<26x4x128x8x128xf32, #tpu.memory_space<hbm>> -> memref<1x1x4x8x128xf32, #tpu.memory_space<hbm>>
        %dma_wait3A_583 = tpu.memref_squeeze %dma_wait3A_582 : memref<1x1x4x8x128xf32, #tpu.memory_space<hbm>> -> memref<4x8x128xf32, #tpu.memory_space<hbm>>
        %dma_wait3A_584 = arith.constant 0 : i32
        %dma_wait3A_585 = arith.constant 0 : i32
        %dma_wait3A_586 = arith.constant 0 : i32
        %dma_wait3A_587 = tpu.memref_slice %arg7[%and3A_360, %dma_wait3A_564, %dma_wait3A_584, %dma_wait3A_585, %dma_wait3A_586] : memref<2x4x5x8x129xf32, #tpu.memory_space<vmem>> -> memref<1x1x4x8x128xf32, #tpu.memory_space<vmem>>
        %dma_wait3A_588 = tpu.memref_squeeze %dma_wait3A_587 : memref<1x1x4x8x128xf32, #tpu.memory_space<vmem>> -> memref<4x8x128xf32, #tpu.memory_space<vmem>>
        tpu.wait_dma2 semaphore(%dma_wait3A_578 : memref<!tpu.dma_semaphore, #tpu.memory_space<semaphore_mem>>) src(%dma_wait3A_588 : memref<4x8x128xf32, #tpu.memory_space<vmem>>) dst(%dma_wait3A_583 : memref<4x8x128xf32, #tpu.memory_space<hbm>>)
      } else {
      }
      %scan3A_387 = arith.constant 0 : i32
      %scan3A_388 = arith.constant 0 : i32
      %scan3A_389 = arith.constant 64 : i32
      %scan3A_390 = arith.addi %scan3A_388, %scan3A_389 : i32
      %scan3A_391 = arith.constant 1 : i32
      scf.for %scan3A_489 = %scan3A_388 to %scan3A_390 step %scan3A_391  : i32 {
        %mul3A_490 = arith.constant 8 : i32
        %mul3A_491 = arith.muli %scan3A_489, %mul3A_490 : i32
        %add3A_492 = arith.constant 0 : i32
        %add3A_493 = arith.addi %mul3A_491, %add3A_492 : i32
        %jit3A_494 = arith.constant 128 : i32
        %div3A_495 = arith.divsi %add3A_493, %jit3A_494 : i32
        %sign3A_496 = arith.constant 0 : i32
        %sign3A_497 = arith.cmpi sgt, %add3A_493, %sign3A_496 : i32
        %sign3A_498 = arith.extui %sign3A_497 : i1 to i32
        %sign3A_499 = arith.constant 0 : i32
        %sign3A_500 = arith.cmpi slt, %add3A_493, %sign3A_499 : i32
        %sign3A_501 = arith.extui %sign3A_500 : i1 to i32
        %sign3A_502 = arith.subi %sign3A_498, %sign3A_501 : i32
        %sign3A_503 = arith.constant 0 : i32
        %sign3A_504 = arith.cmpi sgt, %jit3A_494, %sign3A_503 : i32
        %sign3A_505 = arith.extui %sign3A_504 : i1 to i32
        %sign3A_506 = arith.constant 0 : i32
        %sign3A_507 = arith.cmpi slt, %jit3A_494, %sign3A_506 : i32
        %sign3A_508 = arith.extui %sign3A_507 : i1 to i32
        %sign3A_509 = arith.subi %sign3A_505, %sign3A_508 : i32
        %ne3A_510 = arith.cmpi ne, %sign3A_502, %sign3A_509 : i32
        %rem3A_511 = arith.remsi %add3A_493, %jit3A_494 : i32
        %ne3A_512 = arith.constant 0 : i32
        %ne3A_513 = arith.cmpi ne, %rem3A_511, %ne3A_512 : i32
        %and3A_514 = arith.andi %ne3A_510, %ne3A_513 : i1
        %sub3A_515 = arith.constant 1 : i32
        %sub3A_516 = arith.subi %div3A_495, %sub3A_515 : i32
        %select_n3A_517 = arith.select %and3A_514, %sub3A_516, %div3A_495 : i32
        %rem3A_518 = arith.constant 128 : i32
        %rem3A_519 = arith.remsi %add3A_493, %rem3A_518 : i32
        %broadcast_in_dim3A = vector.broadcast %rem3A_519 : i32 to vector<16xi32>
        %broadcast_in_dim3A_520 = vector.broadcast %select_n3A_517 : i32 to vector<16xi32>
        %get3A = arith.index_cast %and3A_360 : i32 to index
        %get3A_521 = arith.index_cast %add3A_493 : i32 to index
        %get3A_522 = arith.constant 0 : index
        %get3A_523 = tpu.vector_load %arg6[%get3A, %get3A_521, %get3A_522] {strides = array<i32>} : memref<2x512x32xf32, #tpu.memory_space<vmem>>, vector<16xf32>,
        %scatter3A = arith.constant 0 : i32
        %scatter3A_524 = arith.constant 0 : i32
        %scatter3A_525 = arith.constant 0 : i32
        %scatter3A_526 = arith.constant 0 : i32
        %scatter3A_527 = tpu.memref_slice %arg7[%and3A_360, %scatter3A, %scatter3A_524, %scatter3A_525, %scatter3A_526] : memref<2x4x5x8x129xf32, #tpu.memory_space<vmem>> -> memref<1x4x5x8x129xf32, #tpu.memory_space<vmem>>
        %scatter3A_528 = tpu.memref_squeeze %scatter3A_527 : memref<1x4x5x8x129xf32, #tpu.memory_space<vmem>> -> memref<4x5x8x129xf32, #tpu.memory_space<vmem>>
        tpu.vector_store_idx %scatter3A_528[%select_n3A, %broadcast_in_dim3A_520, %and3A_72, %broadcast_in_dim3A], %get3A_523 : memref<4x5x8x129xf32, #tpu.memory_space<vmem>>[vector<16xi32>, vector<16xi32>, vector<16xi32>, vector<16xi32>], vector<16xf32>,
        %get3A_529 = arith.index_cast %and3A_360 : i32 to index
        %get3A_530 = arith.index_cast %add3A_493 : i32 to index
        %get3A_531 = arith.constant 16 : index
        %get3A_532 = tpu.vector_load %arg6[%get3A_529, %get3A_530, %get3A_531] {strides = array<i32>} : memref<2x512x32xf32, #tpu.memory_space<vmem>>, vector<16xf32>,
        %scatter3A_533 = arith.constant 0 : i32
        %scatter3A_534 = arith.constant 0 : i32
        %scatter3A_535 = arith.constant 0 : i32
        %scatter3A_536 = arith.constant 0 : i32
        %scatter3A_537 = tpu.memref_slice %arg7[%and3A_360, %scatter3A_533, %scatter3A_534, %scatter3A_535, %scatter3A_536] : memref<2x4x5x8x129xf32, #tpu.memory_space<vmem>> -> memref<1x4x5x8x129xf32, #tpu.memory_space<vmem>>
        %scatter3A_538 = tpu.memref_squeeze %scatter3A_537 : memref<1x4x5x8x129xf32, #tpu.memory_space<vmem>> -> memref<4x5x8x129xf32, #tpu.memory_space<vmem>>
        tpu.vector_store_idx %scatter3A_538[%add3A_69, %broadcast_in_dim3A_520, %and3A_72, %broadcast_in_dim3A], %get3A_532 : memref<4x5x8x129xf32, #tpu.memory_space<vmem>>[vector<16xi32>, vector<16xi32>, vector<16xi32>, vector<16xi32>], vector<16xf32>,
        %mul3A_539 = arith.constant 8 : i32
        %mul3A_540 = arith.muli %scan3A_489, %mul3A_539 : i32
        %add3A_541 = arith.constant 1 : i32
        %add3A_542 = arith.addi %mul3A_540, %add3A_541 : i32
        %jit3A_543 = arith.constant 128 : i32
        %div3A_544 = arith.divsi %add3A_542, %jit3A_543 : i32
        %sign3A_545 = arith.constant 0 : i32
        %sign3A_546 = arith.cmpi sgt, %add3A_542, %sign3A_545 : i32
        %sign3A_547 = arith.extui %sign3A_546 : i1 to i32
        %sign3A_548 = arith.constant 0 : i32
        %sign3A_549 = arith.cmpi slt, %add3A_542, %sign3A_548 : i32
        %sign3A_550 = arith.extui %sign3A_549 : i1 to i32
        %sign3A_551 = arith.subi %sign3A_547, %sign3A_550 : i32
        %sign3A_552 = arith.constant 0 : i32
        %sign3A_553 = arith.cmpi sgt, %jit3A_543, %sign3A_552 : i32
        %sign3A_554 = arith.extui %sign3A_553 : i1 to i32
        %sign3A_555 = arith.constant 0 : i32
        %sign3A_556 = arith.cmpi slt, %jit3A_543, %sign3A_555 : i32
        %sign3A_557 = arith.extui %sign3A_556 : i1 to i32
        %sign3A_558 = arith.subi %sign3A_554, %sign3A_557 : i32
        %ne3A_559 = arith.cmpi ne, %sign3A_551, %sign3A_558 : i32
        %rem3A_560 = arith.remsi %add3A_542, %jit3A_543 : i32
        %ne3A_561 = arith.constant 0 : i32
        %ne3A_562 = arith.cmpi ne, %rem3A_560, %ne3A_561 : i32
        %and3A_563 = arith.andi %ne3A_559, %ne3A_562 : i1
        %sub3A_564 = arith.constant 1 : i32
        %sub3A_565 = arith.subi %div3A_544, %sub3A_564 : i32
        %select_n3A_566 = arith.select %and3A_563, %sub3A_565, %div3A_544 : i32
        %rem3A_567 = arith.constant 128 : i32
        %rem3A_568 = arith.remsi %add3A_542, %rem3A_567 : i32
        %broadcast_in_dim3A_569 = vector.broadcast %rem3A_568 : i32 to vector<16xi32>
        %broadcast_in_dim3A_570 = vector.broadcast %select_n3A_566 : i32 to vector<16xi32>
        %get3A_571 = arith.index_cast %and3A_360 : i32 to index
        %get3A_572 = arith.index_cast %add3A_542 : i32 to index
        %get3A_573 = arith.constant 0 : index
        %get3A_574 = tpu.vector_load %arg6[%get3A_571, %get3A_572, %get3A_573] {strides = array<i32>} : memref<2x512x32xf32, #tpu.memory_space<vmem>>, vector<16xf32>,
        %scatter3A_575 = arith.constant 0 : i32
        %scatter3A_576 = arith.constant 0 : i32
        %scatter3A_577 = arith.constant 0 : i32
        %scatter3A_578 = arith.constant 0 : i32
        %scatter3A_579 = tpu.memref_slice %arg7[%and3A_360, %scatter3A_575, %scatter3A_576, %scatter3A_577, %scatter3A_578] : memref<2x4x5x8x129xf32, #tpu.memory_space<vmem>> -> memref<1x4x5x8x129xf32, #tpu.memory_space<vmem>>
        %scatter3A_580 = tpu.memref_squeeze %scatter3A_579 : memref<1x4x5x8x129xf32, #tpu.memory_space<vmem>> -> memref<4x5x8x129xf32, #tpu.memory_space<vmem>>
        tpu.vector_store_idx %scatter3A_580[%select_n3A, %broadcast_in_dim3A_570, %and3A_72, %broadcast_in_dim3A_569], %get3A_574 : memref<4x5x8x129xf32, #tpu.memory_space<vmem>>[vector<16xi32>, vector<16xi32>, vector<16xi32>, vector<16xi32>], vector<16xf32>,
        %get3A_581 = arith.index_cast %and3A_360 : i32 to index
        %get3A_582 = arith.index_cast %add3A_542 : i32 to index
        %get3A_583 = arith.constant 16 : index
        %get3A_584 = tpu.vector_load %arg6[%get3A_581, %get3A_582, %get3A_583] {strides = array<i32>} : memref<2x512x32xf32, #tpu.memory_space<vmem>>, vector<16xf32>,
        %scatter3A_585 = arith.constant 0 : i32
        %scatter3A_586 = arith.constant 0 : i32
        %scatter3A_587 = arith.constant 0 : i32
        %scatter3A_588 = arith.constant 0 : i32
        %scatter3A_589 = tpu.memref_slice %arg7[%and3A_360, %scatter3A_585, %scatter3A_586, %scatter3A_587, %scatter3A_588] : memref<2x4x5x8x129xf32, #tpu.memory_space<vmem>> -> memref<1x4x5x8x129xf32, #tpu.memory_space<vmem>>
        %scatter3A_590 = tpu.memref_squeeze %scatter3A_589 : memref<1x4x5x8x129xf32, #tpu.memory_space<vmem>> -> memref<4x5x8x129xf32, #tpu.memory_space<vmem>>
        tpu.vector_store_idx %scatter3A_590[%add3A_69, %broadcast_in_dim3A_570, %and3A_72, %broadcast_in_dim3A_569], %get3A_584 : memref<4x5x8x129xf32, #tpu.memory_space<vmem>>[vector<16xi32>, vector<16xi32>, vector<16xi32>, vector<16xi32>], vector<16xf32>,
        %mul3A_591 = arith.constant 8 : i32
        %mul3A_592 = arith.muli %scan3A_489, %mul3A_591 : i32
        %add3A_593 = arith.constant 2 : i32
        %add3A_594 = arith.addi %mul3A_592, %add3A_593 : i32
        %jit3A_595 = arith.constant 128 : i32
        %div3A_596 = arith.divsi %add3A_594, %jit3A_595 : i32
        %sign3A_597 = arith.constant 0 : i32
        %sign3A_598 = arith.cmpi sgt, %add3A_594, %sign3A_597 : i32
        %sign3A_599 = arith.extui %sign3A_598 : i1 to i32
        %sign3A_600 = arith.constant 0 : i32
        %sign3A_601 = arith.cmpi slt, %add3A_594, %sign3A_600 : i32
        %sign3A_602 = arith.extui %sign3A_601 : i1 to i32
        %sign3A_603 = arith.subi %sign3A_599, %sign3A_602 : i32
        %sign3A_604 = arith.constant 0 : i32
        %sign3A_605 = arith.cmpi sgt, %jit3A_595, %sign3A_604 : i32
        %sign3A_606 = arith.extui %sign3A_605 : i1 to i32
        %sign3A_607 = arith.constant 0 : i32
        %sign3A_608 = arith.cmpi slt, %jit3A_595, %sign3A_607 : i32
        %sign3A_609 = arith.extui %sign3A_608 : i1 to i32
        %sign3A_610 = arith.subi %sign3A_606, %sign3A_609 : i32
        %ne3A_611 = arith.cmpi ne, %sign3A_603, %sign3A_610 : i32
        %rem3A_612 = arith.remsi %add3A_594, %jit3A_595 : i32
        %ne3A_613 = arith.constant 0 : i32
        %ne3A_614 = arith.cmpi ne, %rem3A_612, %ne3A_613 : i32
        %and3A_615 = arith.andi %ne3A_611, %ne3A_614 : i1
        %sub3A_616 = arith.constant 1 : i32
        %sub3A_617 = arith.subi %div3A_596, %sub3A_616 : i32
        %select_n3A_618 = arith.select %and3A_615, %sub3A_617, %div3A_596 : i32
        %rem3A_619 = arith.constant 128 : i32
        %rem3A_620 = arith.remsi %add3A_594, %rem3A_619 : i32
        %broadcast_in_dim3A_621 = vector.broadcast %rem3A_620 : i32 to vector<16xi32>
        %broadcast_in_dim3A_622 = vector.broadcast %select_n3A_618 : i32 to vector<16xi32>
        %get3A_623 = arith.index_cast %and3A_360 : i32 to index
        %get3A_624 = arith.index_cast %add3A_594 : i32 to index
        %get3A_625 = arith.constant 0 : index
        %get3A_626 = tpu.vector_load %arg6[%get3A_623, %get3A_624, %get3A_625] {strides = array<i32>} : memref<2x512x32xf32, #tpu.memory_space<vmem>>, vector<16xf32>,
        %scatter3A_627 = arith.constant 0 : i32
        %scatter3A_628 = arith.constant 0 : i32
        %scatter3A_629 = arith.constant 0 : i32
        %scatter3A_630 = arith.constant 0 : i32
        %scatter3A_631 = tpu.memref_slice %arg7[%and3A_360, %scatter3A_627, %scatter3A_628, %scatter3A_629, %scatter3A_630] : memref<2x4x5x8x129xf32, #tpu.memory_space<vmem>> -> memref<1x4x5x8x129xf32, #tpu.memory_space<vmem>>
        %scatter3A_632 = tpu.memref_squeeze %scatter3A_631 : memref<1x4x5x8x129xf32, #tpu.memory_space<vmem>> -> memref<4x5x8x129xf32, #tpu.memory_space<vmem>>
        tpu.vector_store_idx %scatter3A_632[%select_n3A, %broadcast_in_dim3A_622, %and3A_72, %broadcast_in_dim3A_621], %get3A_626 : memref<4x5x8x129xf32, #tpu.memory_space<vmem>>[vector<16xi32>, vector<16xi32>, vector<16xi32>, vector<16xi32>], vector<16xf32>,
        %get3A_633 = arith.index_cast %and3A_360 : i32 to index
        %get3A_634 = arith.index_cast %add3A_594 : i32 to index
        %get3A_635 = arith.constant 16 : index
        %get3A_636 = tpu.vector_load %arg6[%get3A_633, %get3A_634, %get3A_635] {strides = array<i32>} : memref<2x512x32xf32, #tpu.memory_space<vmem>>, vector<16xf32>,
        %scatter3A_637 = arith.constant 0 : i32
        %scatter3A_638 = arith.constant 0 : i32
        %scatter3A_639 = arith.constant 0 : i32
        %scatter3A_640 = arith.constant 0 : i32
        %scatter3A_641 = tpu.memref_slice %arg7[%and3A_360, %scatter3A_637, %scatter3A_638, %scatter3A_639, %scatter3A_640] : memref<2x4x5x8x129xf32, #tpu.memory_space<vmem>> -> memref<1x4x5x8x129xf32, #tpu.memory_space<vmem>>
        %scatter3A_642 = tpu.memref_squeeze %scatter3A_641 : memref<1x4x5x8x129xf32, #tpu.memory_space<vmem>> -> memref<4x5x8x129xf32, #tpu.memory_space<vmem>>
        tpu.vector_store_idx %scatter3A_642[%add3A_69, %broadcast_in_dim3A_622, %and3A_72, %broadcast_in_dim3A_621], %get3A_636 : memref<4x5x8x129xf32, #tpu.memory_space<vmem>>[vector<16xi32>, vector<16xi32>, vector<16xi32>, vector<16xi32>], vector<16xf32>,
        %mul3A_643 = arith.constant 8 : i32
        %mul3A_644 = arith.muli %scan3A_489, %mul3A_643 : i32
        %add3A_645 = arith.constant 3 : i32
        %add3A_646 = arith.addi %mul3A_644, %add3A_645 : i32
        %jit3A_647 = arith.constant 128 : i32
        %div3A_648 = arith.divsi %add3A_646, %jit3A_647 : i32
        %sign3A_649 = arith.constant 0 : i32
        %sign3A_650 = arith.cmpi sgt, %add3A_646, %sign3A_649 : i32
        %sign3A_651 = arith.extui %sign3A_650 : i1 to i32
        %sign3A_652 = arith.constant 0 : i32
        %sign3A_653 = arith.cmpi slt, %add3A_646, %sign3A_652 : i32
        %sign3A_654 = arith.extui %sign3A_653 : i1 to i32
        %sign3A_655 = arith.subi %sign3A_651, %sign3A_654 : i32
        %sign3A_656 = arith.constant 0 : i32
        %sign3A_657 = arith.cmpi sgt, %jit3A_647, %sign3A_656 : i32
        %sign3A_658 = arith.extui %sign3A_657 : i1 to i32
        %sign3A_659 = arith.constant 0 : i32
        %sign3A_660 = arith.cmpi slt, %jit3A_647, %sign3A_659 : i32
        %sign3A_661 = arith.extui %sign3A_660 : i1 to i32
        %sign3A_662 = arith.subi %sign3A_658, %sign3A_661 : i32
        %ne3A_663 = arith.cmpi ne, %sign3A_655, %sign3A_662 : i32
        %rem3A_664 = arith.remsi %add3A_646, %jit3A_647 : i32
        %ne3A_665 = arith.constant 0 : i32
        %ne3A_666 = arith.cmpi ne, %rem3A_664, %ne3A_665 : i32
        %and3A_667 = arith.andi %ne3A_663, %ne3A_666 : i1
        %sub3A_668 = arith.constant 1 : i32
        %sub3A_669 = arith.subi %div3A_648, %sub3A_668 : i32
        %select_n3A_670 = arith.select %and3A_667, %sub3A_669, %div3A_648 : i32
        %rem3A_671 = arith.constant 128 : i32
        %rem3A_672 = arith.remsi %add3A_646, %rem3A_671 : i32
        %broadcast_in_dim3A_673 = vector.broadcast %rem3A_672 : i32 to vector<16xi32>
        %broadcast_in_dim3A_674 = vector.broadcast %select_n3A_670 : i32 to vector<16xi32>
        %get3A_675 = arith.index_cast %and3A_360 : i32 to index
        %get3A_676 = arith.index_cast %add3A_646 : i32 to index
        %get3A_677 = arith.constant 0 : index
        %get3A_678 = tpu.vector_load %arg6[%get3A_675, %get3A_676, %get3A_677] {strides = array<i32>} : memref<2x512x32xf32, #tpu.memory_space<vmem>>, vector<16xf32>,
        %scatter3A_679 = arith.constant 0 : i32
        %scatter3A_680 = arith.constant 0 : i32
        %scatter3A_681 = arith.constant 0 : i32
        %scatter3A_682 = arith.constant 0 : i32
        %scatter3A_683 = tpu.memref_slice %arg7[%and3A_360, %scatter3A_679, %scatter3A_680, %scatter3A_681, %scatter3A_682] : memref<2x4x5x8x129xf32, #tpu.memory_space<vmem>> -> memref<1x4x5x8x129xf32, #tpu.memory_space<vmem>>
        %scatter3A_684 = tpu.memref_squeeze %scatter3A_683 : memref<1x4x5x8x129xf32, #tpu.memory_space<vmem>> -> memref<4x5x8x129xf32, #tpu.memory_space<vmem>>
        tpu.vector_store_idx %scatter3A_684[%select_n3A, %broadcast_in_dim3A_674, %and3A_72, %broadcast_in_dim3A_673], %get3A_678 : memref<4x5x8x129xf32, #tpu.memory_space<vmem>>[vector<16xi32>, vector<16xi32>, vector<16xi32>, vector<16xi32>], vector<16xf32>,
        %get3A_685 = arith.index_cast %and3A_360 : i32 to index
        %get3A_686 = arith.index_cast %add3A_646 : i32 to index
        %get3A_687 = arith.constant 16 : index
        %get3A_688 = tpu.vector_load %arg6[%get3A_685, %get3A_686, %get3A_687] {strides = array<i32>} : memref<2x512x32xf32, #tpu.memory_space<vmem>>, vector<16xf32>,
        %scatter3A_689 = arith.constant 0 : i32
        %scatter3A_690 = arith.constant 0 : i32
        %scatter3A_691 = arith.constant 0 : i32
        %scatter3A_692 = arith.constant 0 : i32
        %scatter3A_693 = tpu.memref_slice %arg7[%and3A_360, %scatter3A_689, %scatter3A_690, %scatter3A_691, %scatter3A_692] : memref<2x4x5x8x129xf32, #tpu.memory_space<vmem>> -> memref<1x4x5x8x129xf32, #tpu.memory_space<vmem>>
        %scatter3A_694 = tpu.memref_squeeze %scatter3A_693 : memref<1x4x5x8x129xf32, #tpu.memory_space<vmem>> -> memref<4x5x8x129xf32, #tpu.memory_space<vmem>>
        tpu.vector_store_idx %scatter3A_694[%add3A_69, %broadcast_in_dim3A_674, %and3A_72, %broadcast_in_dim3A_673], %get3A_688 : memref<4x5x8x129xf32, #tpu.memory_space<vmem>>[vector<16xi32>, vector<16xi32>, vector<16xi32>, vector<16xi32>], vector<16xf32>,
        %mul3A_695 = arith.constant 8 : i32
        %mul3A_696 = arith.muli %scan3A_489, %mul3A_695 : i32
        %add3A_697 = arith.constant 4 : i32
        %add3A_698 = arith.addi %mul3A_696, %add3A_697 : i32
        %jit3A_699 = arith.constant 128 : i32
        %div3A_700 = arith.divsi %add3A_698, %jit3A_699 : i32
        %sign3A_701 = arith.constant 0 : i32
        %sign3A_702 = arith.cmpi sgt, %add3A_698, %sign3A_701 : i32
        %sign3A_703 = arith.extui %sign3A_702 : i1 to i32
        %sign3A_704 = arith.constant 0 : i32
        %sign3A_705 = arith.cmpi slt, %add3A_698, %sign3A_704 : i32
        %sign3A_706 = arith.extui %sign3A_705 : i1 to i32
        %sign3A_707 = arith.subi %sign3A_703, %sign3A_706 : i32
        %sign3A_708 = arith.constant 0 : i32
        %sign3A_709 = arith.cmpi sgt, %jit3A_699, %sign3A_708 : i32
        %sign3A_710 = arith.extui %sign3A_709 : i1 to i32
        %sign3A_711 = arith.constant 0 : i32
        %sign3A_712 = arith.cmpi slt, %jit3A_699, %sign3A_711 : i32
        %sign3A_713 = arith.extui %sign3A_712 : i1 to i32
        %sign3A_714 = arith.subi %sign3A_710, %sign3A_713 : i32
        %ne3A_715 = arith.cmpi ne, %sign3A_707, %sign3A_714 : i32
        %rem3A_716 = arith.remsi %add3A_698, %jit3A_699 : i32
        %ne3A_717 = arith.constant 0 : i32
        %ne3A_718 = arith.cmpi ne, %rem3A_716, %ne3A_717 : i32
        %and3A_719 = arith.andi %ne3A_715, %ne3A_718 : i1
        %sub3A_720 = arith.constant 1 : i32
        %sub3A_721 = arith.subi %div3A_700, %sub3A_720 : i32
        %select_n3A_722 = arith.select %and3A_719, %sub3A_721, %div3A_700 : i32
        %rem3A_723 = arith.constant 128 : i32
        %rem3A_724 = arith.remsi %add3A_698, %rem3A_723 : i32
        %broadcast_in_dim3A_725 = vector.broadcast %rem3A_724 : i32 to vector<16xi32>
        %broadcast_in_dim3A_726 = vector.broadcast %select_n3A_722 : i32 to vector<16xi32>
        %get3A_727 = arith.index_cast %and3A_360 : i32 to index
        %get3A_728 = arith.index_cast %add3A_698 : i32 to index
        %get3A_729 = arith.constant 0 : index
        %get3A_730 = tpu.vector_load %arg6[%get3A_727, %get3A_728, %get3A_729] {strides = array<i32>} : memref<2x512x32xf32, #tpu.memory_space<vmem>>, vector<16xf32>,
        %scatter3A_731 = arith.constant 0 : i32
        %scatter3A_732 = arith.constant 0 : i32
        %scatter3A_733 = arith.constant 0 : i32
        %scatter3A_734 = arith.constant 0 : i32
        %scatter3A_735 = tpu.memref_slice %arg7[%and3A_360, %scatter3A_731, %scatter3A_732, %scatter3A_733, %scatter3A_734] : memref<2x4x5x8x129xf32, #tpu.memory_space<vmem>> -> memref<1x4x5x8x129xf32, #tpu.memory_space<vmem>>
        %scatter3A_736 = tpu.memref_squeeze %scatter3A_735 : memref<1x4x5x8x129xf32, #tpu.memory_space<vmem>> -> memref<4x5x8x129xf32, #tpu.memory_space<vmem>>
        tpu.vector_store_idx %scatter3A_736[%select_n3A, %broadcast_in_dim3A_726, %and3A_72, %broadcast_in_dim3A_725], %get3A_730 : memref<4x5x8x129xf32, #tpu.memory_space<vmem>>[vector<16xi32>, vector<16xi32>, vector<16xi32>, vector<16xi32>], vector<16xf32>,
        %get3A_737 = arith.index_cast %and3A_360 : i32 to index
        %get3A_738 = arith.index_cast %add3A_698 : i32 to index
        %get3A_739 = arith.constant 16 : index
        %get3A_740 = tpu.vector_load %arg6[%get3A_737, %get3A_738, %get3A_739] {strides = array<i32>} : memref<2x512x32xf32, #tpu.memory_space<vmem>>, vector<16xf32>,
        %scatter3A_741 = arith.constant 0 : i32
        %scatter3A_742 = arith.constant 0 : i32
        %scatter3A_743 = arith.constant 0 : i32
        %scatter3A_744 = arith.constant 0 : i32
        %scatter3A_745 = tpu.memref_slice %arg7[%and3A_360, %scatter3A_741, %scatter3A_742, %scatter3A_743, %scatter3A_744] : memref<2x4x5x8x129xf32, #tpu.memory_space<vmem>> -> memref<1x4x5x8x129xf32, #tpu.memory_space<vmem>>
        %scatter3A_746 = tpu.memref_squeeze %scatter3A_745 : memref<1x4x5x8x129xf32, #tpu.memory_space<vmem>> -> memref<4x5x8x129xf32, #tpu.memory_space<vmem>>
        tpu.vector_store_idx %scatter3A_746[%add3A_69, %broadcast_in_dim3A_726, %and3A_72, %broadcast_in_dim3A_725], %get3A_740 : memref<4x5x8x129xf32, #tpu.memory_space<vmem>>[vector<16xi32>, vector<16xi32>, vector<16xi32>, vector<16xi32>], vector<16xf32>,
        %mul3A_747 = arith.constant 8 : i32
        %mul3A_748 = arith.muli %scan3A_489, %mul3A_747 : i32
        %add3A_749 = arith.constant 5 : i32
        %add3A_750 = arith.addi %mul3A_748, %add3A_749 : i32
        %jit3A_751 = arith.constant 128 : i32
        %div3A_752 = arith.divsi %add3A_750, %jit3A_751 : i32
        %sign3A_753 = arith.constant 0 : i32
        %sign3A_754 = arith.cmpi sgt, %add3A_750, %sign3A_753 : i32
        %sign3A_755 = arith.extui %sign3A_754 : i1 to i32
        %sign3A_756 = arith.constant 0 : i32
        %sign3A_757 = arith.cmpi slt, %add3A_750, %sign3A_756 : i32
        %sign3A_758 = arith.extui %sign3A_757 : i1 to i32
        %sign3A_759 = arith.subi %sign3A_755, %sign3A_758 : i32
        %sign3A_760 = arith.constant 0 : i32
        %sign3A_761 = arith.cmpi sgt, %jit3A_751, %sign3A_760 : i32
        %sign3A_762 = arith.extui %sign3A_761 : i1 to i32
        %sign3A_763 = arith.constant 0 : i32
        %sign3A_764 = arith.cmpi slt, %jit3A_751, %sign3A_763 : i32
        %sign3A_765 = arith.extui %sign3A_764 : i1 to i32
        %sign3A_766 = arith.subi %sign3A_762, %sign3A_765 : i32
        %ne3A_767 = arith.cmpi ne, %sign3A_759, %sign3A_766 : i32
        %rem3A_768 = arith.remsi %add3A_750, %jit3A_751 : i32
        %ne3A_769 = arith.constant 0 : i32
        %ne3A_770 = arith.cmpi ne, %rem3A_768, %ne3A_769 : i32
        %and3A_771 = arith.andi %ne3A_767, %ne3A_770 : i1
        %sub3A_772 = arith.constant 1 : i32
        %sub3A_773 = arith.subi %div3A_752, %sub3A_772 : i32
        %select_n3A_774 = arith.select %and3A_771, %sub3A_773, %div3A_752 : i32
        %rem3A_775 = arith.constant 128 : i32
        %rem3A_776 = arith.remsi %add3A_750, %rem3A_775 : i32
        %broadcast_in_dim3A_777 = vector.broadcast %rem3A_776 : i32 to vector<16xi32>
        %broadcast_in_dim3A_778 = vector.broadcast %select_n3A_774 : i32 to vector<16xi32>
        %get3A_779 = arith.index_cast %and3A_360 : i32 to index
        %get3A_780 = arith.index_cast %add3A_750 : i32 to index
        %get3A_781 = arith.constant 0 : index
        %get3A_782 = tpu.vector_load %arg6[%get3A_779, %get3A_780, %get3A_781] {strides = array<i32>} : memref<2x512x32xf32, #tpu.memory_space<vmem>>, vector<16xf32>,
        %scatter3A_783 = arith.constant 0 : i32
        %scatter3A_784 = arith.constant 0 : i32
        %scatter3A_785 = arith.constant 0 : i32
        %scatter3A_786 = arith.constant 0 : i32
        %scatter3A_787 = tpu.memref_slice %arg7[%and3A_360, %scatter3A_783, %scatter3A_784, %scatter3A_785, %scatter3A_786] : memref<2x4x5x8x129xf32, #tpu.memory_space<vmem>> -> memref<1x4x5x8x129xf32, #tpu.memory_space<vmem>>
        %scatter3A_788 = tpu.memref_squeeze %scatter3A_787 : memref<1x4x5x8x129xf32, #tpu.memory_space<vmem>> -> memref<4x5x8x129xf32, #tpu.memory_space<vmem>>
        tpu.vector_store_idx %scatter3A_788[%select_n3A, %broadcast_in_dim3A_778, %and3A_72, %broadcast_in_dim3A_777], %get3A_782 : memref<4x5x8x129xf32, #tpu.memory_space<vmem>>[vector<16xi32>, vector<16xi32>, vector<16xi32>, vector<16xi32>], vector<16xf32>,
        %get3A_789 = arith.index_cast %and3A_360 : i32 to index
        %get3A_790 = arith.index_cast %add3A_750 : i32 to index
        %get3A_791 = arith.constant 16 : index
        %get3A_792 = tpu.vector_load %arg6[%get3A_789, %get3A_790, %get3A_791] {strides = array<i32>} : memref<2x512x32xf32, #tpu.memory_space<vmem>>, vector<16xf32>,
        %scatter3A_793 = arith.constant 0 : i32
        %scatter3A_794 = arith.constant 0 : i32
        %scatter3A_795 = arith.constant 0 : i32
        %scatter3A_796 = arith.constant 0 : i32
        %scatter3A_797 = tpu.memref_slice %arg7[%and3A_360, %scatter3A_793, %scatter3A_794, %scatter3A_795, %scatter3A_796] : memref<2x4x5x8x129xf32, #tpu.memory_space<vmem>> -> memref<1x4x5x8x129xf32, #tpu.memory_space<vmem>>
        %scatter3A_798 = tpu.memref_squeeze %scatter3A_797 : memref<1x4x5x8x129xf32, #tpu.memory_space<vmem>> -> memref<4x5x8x129xf32, #tpu.memory_space<vmem>>
        tpu.vector_store_idx %scatter3A_798[%add3A_69, %broadcast_in_dim3A_778, %and3A_72, %broadcast_in_dim3A_777], %get3A_792 : memref<4x5x8x129xf32, #tpu.memory_space<vmem>>[vector<16xi32>, vector<16xi32>, vector<16xi32>, vector<16xi32>], vector<16xf32>,
        %mul3A_799 = arith.constant 8 : i32
        %mul3A_800 = arith.muli %scan3A_489, %mul3A_799 : i32
        %add3A_801 = arith.constant 6 : i32
        %add3A_802 = arith.addi %mul3A_800, %add3A_801 : i32
        %jit3A_803 = arith.constant 128 : i32
        %div3A_804 = arith.divsi %add3A_802, %jit3A_803 : i32
        %sign3A_805 = arith.constant 0 : i32
        %sign3A_806 = arith.cmpi sgt, %add3A_802, %sign3A_805 : i32
        %sign3A_807 = arith.extui %sign3A_806 : i1 to i32
        %sign3A_808 = arith.constant 0 : i32
        %sign3A_809 = arith.cmpi slt, %add3A_802, %sign3A_808 : i32
        %sign3A_810 = arith.extui %sign3A_809 : i1 to i32
        %sign3A_811 = arith.subi %sign3A_807, %sign3A_810 : i32
        %sign3A_812 = arith.constant 0 : i32
        %sign3A_813 = arith.cmpi sgt, %jit3A_803, %sign3A_812 : i32
        %sign3A_814 = arith.extui %sign3A_813 : i1 to i32
        %sign3A_815 = arith.constant 0 : i32
        %sign3A_816 = arith.cmpi slt, %jit3A_803, %sign3A_815 : i32
        %sign3A_817 = arith.extui %sign3A_816 : i1 to i32
        %sign3A_818 = arith.subi %sign3A_814, %sign3A_817 : i32
        %ne3A_819 = arith.cmpi ne, %sign3A_811, %sign3A_818 : i32
        %rem3A_820 = arith.remsi %add3A_802, %jit3A_803 : i32
        %ne3A_821 = arith.constant 0 : i32
        %ne3A_822 = arith.cmpi ne, %rem3A_820, %ne3A_821 : i32
        %and3A_823 = arith.andi %ne3A_819, %ne3A_822 : i1
        %sub3A_824 = arith.constant 1 : i32
        %sub3A_825 = arith.subi %div3A_804, %sub3A_824 : i32
        %select_n3A_826 = arith.select %and3A_823, %sub3A_825, %div3A_804 : i32
        %rem3A_827 = arith.constant 128 : i32
        %rem3A_828 = arith.remsi %add3A_802, %rem3A_827 : i32
        %broadcast_in_dim3A_829 = vector.broadcast %rem3A_828 : i32 to vector<16xi32>
        %broadcast_in_dim3A_830 = vector.broadcast %select_n3A_826 : i32 to vector<16xi32>
        %get3A_831 = arith.index_cast %and3A_360 : i32 to index
        %get3A_832 = arith.index_cast %add3A_802 : i32 to index
        %get3A_833 = arith.constant 0 : index
        %get3A_834 = tpu.vector_load %arg6[%get3A_831, %get3A_832, %get3A_833] {strides = array<i32>} : memref<2x512x32xf32, #tpu.memory_space<vmem>>, vector<16xf32>,
        %scatter3A_835 = arith.constant 0 : i32
        %scatter3A_836 = arith.constant 0 : i32
        %scatter3A_837 = arith.constant 0 : i32
        %scatter3A_838 = arith.constant 0 : i32
        %scatter3A_839 = tpu.memref_slice %arg7[%and3A_360, %scatter3A_835, %scatter3A_836, %scatter3A_837, %scatter3A_838] : memref<2x4x5x8x129xf32, #tpu.memory_space<vmem>> -> memref<1x4x5x8x129xf32, #tpu.memory_space<vmem>>
        %scatter3A_840 = tpu.memref_squeeze %scatter3A_839 : memref<1x4x5x8x129xf32, #tpu.memory_space<vmem>> -> memref<4x5x8x129xf32, #tpu.memory_space<vmem>>
        tpu.vector_store_idx %scatter3A_840[%select_n3A, %broadcast_in_dim3A_830, %and3A_72, %broadcast_in_dim3A_829], %get3A_834 : memref<4x5x8x129xf32, #tpu.memory_space<vmem>>[vector<16xi32>, vector<16xi32>, vector<16xi32>, vector<16xi32>], vector<16xf32>,
        %get3A_841 = arith.index_cast %and3A_360 : i32 to index
        %get3A_842 = arith.index_cast %add3A_802 : i32 to index
        %get3A_843 = arith.constant 16 : index
        %get3A_844 = tpu.vector_load %arg6[%get3A_841, %get3A_842, %get3A_843] {strides = array<i32>} : memref<2x512x32xf32, #tpu.memory_space<vmem>>, vector<16xf32>,
        %scatter3A_845 = arith.constant 0 : i32
        %scatter3A_846 = arith.constant 0 : i32
        %scatter3A_847 = arith.constant 0 : i32
        %scatter3A_848 = arith.constant 0 : i32
        %scatter3A_849 = tpu.memref_slice %arg7[%and3A_360, %scatter3A_845, %scatter3A_846, %scatter3A_847, %scatter3A_848] : memref<2x4x5x8x129xf32, #tpu.memory_space<vmem>> -> memref<1x4x5x8x129xf32, #tpu.memory_space<vmem>>
        %scatter3A_850 = tpu.memref_squeeze %scatter3A_849 : memref<1x4x5x8x129xf32, #tpu.memory_space<vmem>> -> memref<4x5x8x129xf32, #tpu.memory_space<vmem>>
        tpu.vector_store_idx %scatter3A_850[%add3A_69, %broadcast_in_dim3A_830, %and3A_72, %broadcast_in_dim3A_829], %get3A_844 : memref<4x5x8x129xf32, #tpu.memory_space<vmem>>[vector<16xi32>, vector<16xi32>, vector<16xi32>, vector<16xi32>], vector<16xf32>,
        %mul3A_851 = arith.constant 8 : i32
        %mul3A_852 = arith.muli %scan3A_489, %mul3A_851 : i32
        %add3A_853 = arith.constant 7 : i32
        %add3A_854 = arith.addi %mul3A_852, %add3A_853 : i32
        %jit3A_855 = arith.constant 128 : i32
        %div3A_856 = arith.divsi %add3A_854, %jit3A_855 : i32
        %sign3A_857 = arith.constant 0 : i32
        %sign3A_858 = arith.cmpi sgt, %add3A_854, %sign3A_857 : i32
        %sign3A_859 = arith.extui %sign3A_858 : i1 to i32
        %sign3A_860 = arith.constant 0 : i32
        %sign3A_861 = arith.cmpi slt, %add3A_854, %sign3A_860 : i32
        %sign3A_862 = arith.extui %sign3A_861 : i1 to i32
        %sign3A_863 = arith.subi %sign3A_859, %sign3A_862 : i32
        %sign3A_864 = arith.constant 0 : i32
        %sign3A_865 = arith.cmpi sgt, %jit3A_855, %sign3A_864 : i32
        %sign3A_866 = arith.extui %sign3A_865 : i1 to i32
        %sign3A_867 = arith.constant 0 : i32
        %sign3A_868 = arith.cmpi slt, %jit3A_855, %sign3A_867 : i32
        %sign3A_869 = arith.extui %sign3A_868 : i1 to i32
        %sign3A_870 = arith.subi %sign3A_866, %sign3A_869 : i32
        %ne3A_871 = arith.cmpi ne, %sign3A_863, %sign3A_870 : i32
        %rem3A_872 = arith.remsi %add3A_854, %jit3A_855 : i32
        %ne3A_873 = arith.constant 0 : i32
        %ne3A_874 = arith.cmpi ne, %rem3A_872, %ne3A_873 : i32
        %and3A_875 = arith.andi %ne3A_871, %ne3A_874 : i1
        %sub3A_876 = arith.constant 1 : i32
        %sub3A_877 = arith.subi %div3A_856, %sub3A_876 : i32
        %select_n3A_878 = arith.select %and3A_875, %sub3A_877, %div3A_856 : i32
        %rem3A_879 = arith.constant 128 : i32
        %rem3A_880 = arith.remsi %add3A_854, %rem3A_879 : i32
        %broadcast_in_dim3A_881 = vector.broadcast %rem3A_880 : i32 to vector<16xi32>
        %broadcast_in_dim3A_882 = vector.broadcast %select_n3A_878 : i32 to vector<16xi32>
        %get3A_883 = arith.index_cast %and3A_360 : i32 to index
        %get3A_884 = arith.index_cast %add3A_854 : i32 to index
        %get3A_885 = arith.constant 0 : index
        %get3A_886 = tpu.vector_load %arg6[%get3A_883, %get3A_884, %get3A_885] {strides = array<i32>} : memref<2x512x32xf32, #tpu.memory_space<vmem>>, vector<16xf32>,
        %scatter3A_887 = arith.constant 0 : i32
        %scatter3A_888 = arith.constant 0 : i32
        %scatter3A_889 = arith.constant 0 : i32
        %scatter3A_890 = arith.constant 0 : i32
        %scatter3A_891 = tpu.memref_slice %arg7[%and3A_360, %scatter3A_887, %scatter3A_888, %scatter3A_889, %scatter3A_890] : memref<2x4x5x8x129xf32, #tpu.memory_space<vmem>> -> memref<1x4x5x8x129xf32, #tpu.memory_space<vmem>>
        %scatter3A_892 = tpu.memref_squeeze %scatter3A_891 : memref<1x4x5x8x129xf32, #tpu.memory_space<vmem>> -> memref<4x5x8x129xf32, #tpu.memory_space<vmem>>
        tpu.vector_store_idx %scatter3A_892[%select_n3A, %broadcast_in_dim3A_882, %and3A_72, %broadcast_in_dim3A_881], %get3A_886 : memref<4x5x8x129xf32, #tpu.memory_space<vmem>>[vector<16xi32>, vector<16xi32>, vector<16xi32>, vector<16xi32>], vector<16xf32>,
        %get3A_893 = arith.index_cast %and3A_360 : i32 to index
        %get3A_894 = arith.index_cast %add3A_854 : i32 to index
        %get3A_895 = arith.constant 16 : index
        %get3A_896 = tpu.vector_load %arg6[%get3A_893, %get3A_894, %get3A_895] {strides = array<i32>} : memref<2x512x32xf32, #tpu.memory_space<vmem>>, vector<16xf32>,
        %scatter3A_897 = arith.constant 0 : i32
        %scatter3A_898 = arith.constant 0 : i32
        %scatter3A_899 = arith.constant 0 : i32
        %scatter3A_900 = arith.constant 0 : i32
        %scatter3A_901 = tpu.memref_slice %arg7[%and3A_360, %scatter3A_897, %scatter3A_898, %scatter3A_899, %scatter3A_900] : memref<2x4x5x8x129xf32, #tpu.memory_space<vmem>> -> memref<1x4x5x8x129xf32, #tpu.memory_space<vmem>>
        %scatter3A_902 = tpu.memref_squeeze %scatter3A_901 : memref<1x4x5x8x129xf32, #tpu.memory_space<vmem>> -> memref<4x5x8x129xf32, #tpu.memory_space<vmem>>
        tpu.vector_store_idx %scatter3A_902[%add3A_69, %broadcast_in_dim3A_882, %and3A_72, %broadcast_in_dim3A_881], %get3A_896 : memref<4x5x8x129xf32, #tpu.memory_space<vmem>>[vector<16xi32>, vector<16xi32>, vector<16xi32>, vector<16xi32>], vector<16xf32>,
      }
      %scan3A_392 = arith.constant 64 : i32
      %mul3A_393 = arith.constant 4 : i32
      %mul3A_394 = arith.muli %add3A, %mul3A_393 : i32
      %dma_start3A_395 = arith.constant 0 : i32
      %dma_start3A_396 = arith.constant 0 : i32
      %dma_start3A_397 = arith.constant 0 : i32
      %dma_start3A_398 = arith.constant 0 : i32
      %dma_start3A_399 = arith.constant 0 : i32
      %dma_start3A_400 = tpu.memref_slice %arg7[%and3A_360, %dma_start3A_395, %dma_start3A_397, %dma_start3A_398, %dma_start3A_399] : memref<2x4x5x8x129xf32, #tpu.memory_space<vmem>> -> memref<1x1x4x8x128xf32, #tpu.memory_space<vmem>>
      %dma_start3A_401 = tpu.memref_squeeze %dma_start3A_400 : memref<1x1x4x8x128xf32, #tpu.memory_space<vmem>> -> memref<4x8x128xf32, #tpu.memory_space<vmem>>
      %dma_start3A_402 = arith.constant 0 : i32
      %dma_start3A_403 = arith.constant 0 : i32
      %dma_start3A_404 = tpu.memref_slice %arg4[%scan3A_358, %dma_start3A_396, %mul3A_394, %dma_start3A_402, %dma_start3A_403] : memref<26x4x128x8x128xf32, #tpu.memory_space<hbm>> -> memref<1x1x4x8x128xf32, #tpu.memory_space<hbm>>
      %dma_start3A_405 = tpu.memref_squeeze %dma_start3A_404 : memref<1x1x4x8x128xf32, #tpu.memory_space<hbm>> -> memref<4x8x128xf32, #tpu.memory_space<hbm>>
      %dma_start3A_406 = tpu.memref_slice %arg10[%and3A_360] : memref<2x!tpu.dma_semaphore, #tpu.memory_space<semaphore_mem>> -> memref<1x!tpu.dma_semaphore, #tpu.memory_space<semaphore_mem>>
      %dma_start3A_407 = tpu.memref_squeeze %dma_start3A_406 : memref<1x!tpu.dma_semaphore, #tpu.memory_space<semaphore_mem>> -> memref<!tpu.dma_semaphore, #tpu.memory_space<semaphore_mem>>
      %dma_start3A_408 = arith.constant 0 : i32
      %dma_start3A_409 = arith.constant 0 : i32
      %dma_start3A_410 = tpu.memref_slice %arg4[%scan3A_358, %dma_start3A_396, %mul3A_394, %dma_start3A_408, %dma_start3A_409] : memref<26x4x128x8x128xf32, #tpu.memory_space<hbm>> -> memref<1x1x4x8x128xf32, #tpu.memory_space<hbm>>
      %dma_start3A_411 = tpu.memref_squeeze %dma_start3A_410 : memref<1x1x4x8x128xf32, #tpu.memory_space<hbm>> -> memref<4x8x128xf32, #tpu.memory_space<hbm>>
      %dma_start3A_412 = arith.constant 0 : i32
      %dma_start3A_413 = arith.constant 0 : i32
      %dma_start3A_414 = arith.constant 0 : i32
      %dma_start3A_415 = tpu.memref_slice %arg7[%and3A_360, %dma_start3A_395, %dma_start3A_412, %dma_start3A_413, %dma_start3A_414] : memref<2x4x5x8x129xf32, #tpu.memory_space<vmem>> -> memref<1x1x4x8x128xf32, #tpu.memory_space<vmem>>
      %dma_start3A_416 = tpu.memref_squeeze %dma_start3A_415 : memref<1x1x4x8x128xf32, #tpu.memory_space<vmem>> -> memref<4x8x128xf32, #tpu.memory_space<vmem>>
      tpu.enqueue_dma source(%dma_start3A_416 : memref<4x8x128xf32, #tpu.memory_space<vmem>>) target(%dma_start3A_411 : memref<4x8x128xf32, #tpu.memory_space<hbm>>) target_semaphore(%dma_start3A_407 : memref<!tpu.dma_semaphore, #tpu.memory_space<semaphore_mem>>)
      %mul3A_417 = arith.constant 4 : i32
      %mul3A_418 = arith.muli %add3A, %mul3A_417 : i32
      %dma_start3A_419 = arith.constant 1 : i32
      %dma_start3A_420 = arith.constant 1 : i32
      %dma_start3A_421 = arith.constant 0 : i32
      %dma_start3A_422 = arith.constant 0 : i32
      %dma_start3A_423 = arith.constant 0 : i32
      %dma_start3A_424 = tpu.memref_slice %arg7[%and3A_360, %dma_start3A_419, %dma_start3A_421, %dma_start3A_422, %dma_start3A_423] : memref<2x4x5x8x129xf32, #tpu.memory_space<vmem>> -> memref<1x1x4x8x128xf32, #tpu.memory_space<vmem>>
      %dma_start3A_425 = tpu.memref_squeeze %dma_start3A_424 : memref<1x1x4x8x128xf32, #tpu.memory_space<vmem>> -> memref<4x8x128xf32, #tpu.memory_space<vmem>>
      %dma_start3A_426 = arith.constant 0 : i32
      %dma_start3A_427 = arith.constant 0 : i32
      %dma_start3A_428 = tpu.memref_slice %arg4[%scan3A_358, %dma_start3A_420, %mul3A_418, %dma_start3A_426, %dma_start3A_427] : memref<26x4x128x8x128xf32, #tpu.memory_space<hbm>> -> memref<1x1x4x8x128xf32, #tpu.memory_space<hbm>>
      %dma_start3A_429 = tpu.memref_squeeze %dma_start3A_428 : memref<1x1x4x8x128xf32, #tpu.memory_space<hbm>> -> memref<4x8x128xf32, #tpu.memory_space<hbm>>
      %dma_start3A_430 = tpu.memref_slice %arg10[%and3A_360] : memref<2x!tpu.dma_semaphore, #tpu.memory_space<semaphore_mem>> -> memref<1x!tpu.dma_semaphore, #tpu.memory_space<semaphore_mem>>
      %dma_start3A_431 = tpu.memref_squeeze %dma_start3A_430 : memref<1x!tpu.dma_semaphore, #tpu.memory_space<semaphore_mem>> -> memref<!tpu.dma_semaphore, #tpu.memory_space<semaphore_mem>>
      %dma_start3A_432 = arith.constant 0 : i32
      %dma_start3A_433 = arith.constant 0 : i32
      %dma_start3A_434 = tpu.memref_slice %arg4[%scan3A_358, %dma_start3A_420, %mul3A_418, %dma_start3A_432, %dma_start3A_433] : memref<26x4x128x8x128xf32, #tpu.memory_space<hbm>> -> memref<1x1x4x8x128xf32, #tpu.memory_space<hbm>>
      %dma_start3A_435 = tpu.memref_squeeze %dma_start3A_434 : memref<1x1x4x8x128xf32, #tpu.memory_space<hbm>> -> memref<4x8x128xf32, #tpu.memory_space<hbm>>
      %dma_start3A_436 = arith.constant 0 : i32
      %dma_start3A_437 = arith.constant 0 : i32
      %dma_start3A_438 = arith.constant 0 : i32
      %dma_start3A_439 = tpu.memref_slice %arg7[%and3A_360, %dma_start3A_419, %dma_start3A_436, %dma_start3A_437, %dma_start3A_438] : memref<2x4x5x8x129xf32, #tpu.memory_space<vmem>> -> memref<1x1x4x8x128xf32, #tpu.memory_space<vmem>>
      %dma_start3A_440 = tpu.memref_squeeze %dma_start3A_439 : memref<1x1x4x8x128xf32, #tpu.memory_space<vmem>> -> memref<4x8x128xf32, #tpu.memory_space<vmem>>
      tpu.enqueue_dma source(%dma_start3A_440 : memref<4x8x128xf32, #tpu.memory_space<vmem>>) target(%dma_start3A_435 : memref<4x8x128xf32, #tpu.memory_space<hbm>>) target_semaphore(%dma_start3A_431 : memref<!tpu.dma_semaphore, #tpu.memory_space<semaphore_mem>>)
      %mul3A_441 = arith.constant 4 : i32
      %mul3A_442 = arith.muli %add3A, %mul3A_441 : i32
      %dma_start3A_443 = arith.constant 2 : i32
      %dma_start3A_444 = arith.constant 2 : i32
      %dma_start3A_445 = arith.constant 0 : i32
      %dma_start3A_446 = arith.constant 0 : i32
      %dma_start3A_447 = arith.constant 0 : i32
      %dma_start3A_448 = tpu.memref_slice %arg7[%and3A_360, %dma_start3A_443, %dma_start3A_445, %dma_start3A_446, %dma_start3A_447] : memref<2x4x5x8x129xf32, #tpu.memory_space<vmem>> -> memref<1x1x4x8x128xf32, #tpu.memory_space<vmem>>
      %dma_start3A_449 = tpu.memref_squeeze %dma_start3A_448 : memref<1x1x4x8x128xf32, #tpu.memory_space<vmem>> -> memref<4x8x128xf32, #tpu.memory_space<vmem>>
      %dma_start3A_450 = arith.constant 0 : i32
      %dma_start3A_451 = arith.constant 0 : i32
      %dma_start3A_452 = tpu.memref_slice %arg4[%scan3A_358, %dma_start3A_444, %mul3A_442, %dma_start3A_450, %dma_start3A_451] : memref<26x4x128x8x128xf32, #tpu.memory_space<hbm>> -> memref<1x1x4x8x128xf32, #tpu.memory_space<hbm>>
      %dma_start3A_453 = tpu.memref_squeeze %dma_start3A_452 : memref<1x1x4x8x128xf32, #tpu.memory_space<hbm>> -> memref<4x8x128xf32, #tpu.memory_space<hbm>>
      %dma_start3A_454 = tpu.memref_slice %arg10[%and3A_360] : memref<2x!tpu.dma_semaphore, #tpu.memory_space<semaphore_mem>> -> memref<1x!tpu.dma_semaphore, #tpu.memory_space<semaphore_mem>>
      %dma_start3A_455 = tpu.memref_squeeze %dma_start3A_454 : memref<1x!tpu.dma_semaphore, #tpu.memory_space<semaphore_mem>> -> memref<!tpu.dma_semaphore, #tpu.memory_space<semaphore_mem>>
      %dma_start3A_456 = arith.constant 0 : i32
      %dma_start3A_457 = arith.constant 0 : i32
      %dma_start3A_458 = tpu.memref_slice %arg4[%scan3A_358, %dma_start3A_444, %mul3A_442, %dma_start3A_456, %dma_start3A_457] : memref<26x4x128x8x128xf32, #tpu.memory_space<hbm>> -> memref<1x1x4x8x128xf32, #tpu.memory_space<hbm>>
      %dma_start3A_459 = tpu.memref_squeeze %dma_start3A_458 : memref<1x1x4x8x128xf32, #tpu.memory_space<hbm>> -> memref<4x8x128xf32, #tpu.memory_space<hbm>>
      %dma_start3A_460 = arith.constant 0 : i32
      %dma_start3A_461 = arith.constant 0 : i32
      %dma_start3A_462 = arith.constant 0 : i32
      %dma_start3A_463 = tpu.memref_slice %arg7[%and3A_360, %dma_start3A_443, %dma_start3A_460, %dma_start3A_461, %dma_start3A_462] : memref<2x4x5x8x129xf32, #tpu.memory_space<vmem>> -> memref<1x1x4x8x128xf32, #tpu.memory_space<vmem>>
      %dma_start3A_464 = tpu.memref_squeeze %dma_start3A_463 : memref<1x1x4x8x128xf32, #tpu.memory_space<vmem>> -> memref<4x8x128xf32, #tpu.memory_space<vmem>>
      tpu.enqueue_dma source(%dma_start3A_464 : memref<4x8x128xf32, #tpu.memory_space<vmem>>) target(%dma_start3A_459 : memref<4x8x128xf32, #tpu.memory_space<hbm>>) target_semaphore(%dma_start3A_455 : memref<!tpu.dma_semaphore, #tpu.memory_space<semaphore_mem>>)
      %mul3A_465 = arith.constant 4 : i32
      %mul3A_466 = arith.muli %add3A, %mul3A_465 : i32
      %dma_start3A_467 = arith.constant 3 : i32
      %dma_start3A_468 = arith.constant 3 : i32
      %dma_start3A_469 = arith.constant 0 : i32
      %dma_start3A_470 = arith.constant 0 : i32
      %dma_start3A_471 = arith.constant 0 : i32
      %dma_start3A_472 = tpu.memref_slice %arg7[%and3A_360, %dma_start3A_467, %dma_start3A_469, %dma_start3A_470, %dma_start3A_471] : memref<2x4x5x8x129xf32, #tpu.memory_space<vmem>> -> memref<1x1x4x8x128xf32, #tpu.memory_space<vmem>>
      %dma_start3A_473 = tpu.memref_squeeze %dma_start3A_472 : memref<1x1x4x8x128xf32, #tpu.memory_space<vmem>> -> memref<4x8x128xf32, #tpu.memory_space<vmem>>
      %dma_start3A_474 = arith.constant 0 : i32
      %dma_start3A_475 = arith.constant 0 : i32
      %dma_start3A_476 = tpu.memref_slice %arg4[%scan3A_358, %dma_start3A_468, %mul3A_466, %dma_start3A_474, %dma_start3A_475] : memref<26x4x128x8x128xf32, #tpu.memory_space<hbm>> -> memref<1x1x4x8x128xf32, #tpu.memory_space<hbm>>
      %dma_start3A_477 = tpu.memref_squeeze %dma_start3A_476 : memref<1x1x4x8x128xf32, #tpu.memory_space<hbm>> -> memref<4x8x128xf32, #tpu.memory_space<hbm>>
      %dma_start3A_478 = tpu.memref_slice %arg10[%and3A_360] : memref<2x!tpu.dma_semaphore, #tpu.memory_space<semaphore_mem>> -> memref<1x!tpu.dma_semaphore, #tpu.memory_space<semaphore_mem>>
      %dma_start3A_479 = tpu.memref_squeeze %dma_start3A_478 : memref<1x!tpu.dma_semaphore, #tpu.memory_space<semaphore_mem>> -> memref<!tpu.dma_semaphore, #tpu.memory_space<semaphore_mem>>
      %dma_start3A_480 = arith.constant 0 : i32
      %dma_start3A_481 = arith.constant 0 : i32
      %dma_start3A_482 = tpu.memref_slice %arg4[%scan3A_358, %dma_start3A_468, %mul3A_466, %dma_start3A_480, %dma_start3A_481] : memref<26x4x128x8x128xf32, #tpu.memory_space<hbm>> -> memref<1x1x4x8x128xf32, #tpu.memory_space<hbm>>
      %dma_start3A_483 = tpu.memref_squeeze %dma_start3A_482 : memref<1x1x4x8x128xf32, #tpu.memory_space<hbm>> -> memref<4x8x128xf32, #tpu.memory_space<hbm>>
      %dma_start3A_484 = arith.constant 0 : i32
      %dma_start3A_485 = arith.constant 0 : i32
      %dma_start3A_486 = arith.constant 0 : i32
      %dma_start3A_487 = tpu.memref_slice %arg7[%and3A_360, %dma_start3A_467, %dma_start3A_484, %dma_start3A_485, %dma_start3A_486] : memref<2x4x5x8x129xf32, #tpu.memory_space<vmem>> -> memref<1x1x4x8x128xf32, #tpu.memory_space<vmem>>
      %dma_start3A_488 = tpu.memref_squeeze %dma_start3A_487 : memref<1x1x4x8x128xf32, #tpu.memory_space<vmem>> -> memref<4x8x128xf32, #tpu.memory_space<vmem>>
      tpu.enqueue_dma source(%dma_start3A_488 : memref<4x8x128xf32, #tpu.memory_space<vmem>>) target(%dma_start3A_483 : memref<4x8x128xf32, #tpu.memory_space<hbm>>) target_semaphore(%dma_start3A_479 : memref<!tpu.dma_semaphore, #tpu.memory_space<semaphore_mem>>)
    }
    %scan3A_141 = arith.constant 26 : i32
    %dma_wait3A_142 = arith.constant 0 : i32
    %dma_wait3A_143 = arith.constant 0 : i32
    %dma_wait3A_144 = arith.constant 0 : i32
    %dma_wait3A_145 = arith.constant 0 : i32
    %dma_wait3A_146 = arith.constant 0 : i32
    %dma_wait3A_147 = arith.constant 0 : i32
    %dma_wait3A_148 = arith.constant 0 : i32
    %dma_wait3A_149 = arith.constant 0 : i32
    %dma_wait3A_150 = tpu.memref_slice %arg7[%dma_wait3A_142, %dma_wait3A_143, %dma_wait3A_147, %dma_wait3A_148, %dma_wait3A_149] : memref<2x4x5x8x129xf32, #tpu.memory_space<vmem>> -> memref<1x1x4x8x128xf32, #tpu.memory_space<vmem>>
    %dma_wait3A_151 = tpu.memref_squeeze %dma_wait3A_150 : memref<1x1x4x8x128xf32, #tpu.memory_space<vmem>> -> memref<4x8x128xf32, #tpu.memory_space<vmem>>
    %dma_wait3A_152 = arith.constant 0 : i32
    %dma_wait3A_153 = arith.constant 0 : i32
    %dma_wait3A_154 = arith.constant 0 : i32
    %dma_wait3A_155 = tpu.memref_slice %arg4[%dma_wait3A_144, %dma_wait3A_145, %dma_wait3A_152, %dma_wait3A_153, %dma_wait3A_154] : memref<26x4x128x8x128xf32, #tpu.memory_space<hbm>> -> memref<1x1x4x8x128xf32, #tpu.memory_space<hbm>>
    %dma_wait3A_156 = tpu.memref_squeeze %dma_wait3A_155 : memref<1x1x4x8x128xf32, #tpu.memory_space<hbm>> -> memref<4x8x128xf32, #tpu.memory_space<hbm>>
    %dma_wait3A_157 = tpu.memref_slice %arg10[%dma_wait3A_146] : memref<2x!tpu.dma_semaphore, #tpu.memory_space<semaphore_mem>> -> memref<1x!tpu.dma_semaphore, #tpu.memory_space<semaphore_mem>>
    %dma_wait3A_158 = tpu.memref_squeeze %dma_wait3A_157 : memref<1x!tpu.dma_semaphore, #tpu.memory_space<semaphore_mem>> -> memref<!tpu.dma_semaphore, #tpu.memory_space<semaphore_mem>>
    %dma_wait3A_159 = arith.constant 0 : i32
    %dma_wait3A_160 = arith.constant 0 : i32
    %dma_wait3A_161 = arith.constant 0 : i32
    %dma_wait3A_162 = tpu.memref_slice %arg4[%dma_wait3A_144, %dma_wait3A_145, %dma_wait3A_159, %dma_wait3A_160, %dma_wait3A_161] : memref<26x4x128x8x128xf32, #tpu.memory_space<hbm>> -> memref<1x1x4x8x128xf32, #tpu.memory_space<hbm>>
    %dma_wait3A_163 = tpu.memref_squeeze %dma_wait3A_162 : memref<1x1x4x8x128xf32, #tpu.memory_space<hbm>> -> memref<4x8x128xf32, #tpu.memory_space<hbm>>
    %dma_wait3A_164 = arith.constant 0 : i32
    %dma_wait3A_165 = arith.constant 0 : i32
    %dma_wait3A_166 = arith.constant 0 : i32
    %dma_wait3A_167 = tpu.memref_slice %arg7[%dma_wait3A_142, %dma_wait3A_143, %dma_wait3A_164, %dma_wait3A_165, %dma_wait3A_166] : memref<2x4x5x8x129xf32, #tpu.memory_space<vmem>> -> memref<1x1x4x8x128xf32, #tpu.memory_space<vmem>>
    %dma_wait3A_168 = tpu.memref_squeeze %dma_wait3A_167 : memref<1x1x4x8x128xf32, #tpu.memory_space<vmem>> -> memref<4x8x128xf32, #tpu.memory_space<vmem>>
    tpu.wait_dma2 semaphore(%dma_wait3A_158 : memref<!tpu.dma_semaphore, #tpu.memory_space<semaphore_mem>>) src(%dma_wait3A_168 : memref<4x8x128xf32, #tpu.memory_space<vmem>>) dst(%dma_wait3A_163 : memref<4x8x128xf32, #tpu.memory_space<hbm>>)
    %dma_wait3A_169 = arith.constant 0 : i32
    %dma_wait3A_170 = arith.constant 0 : i32
    %dma_wait3A_171 = arith.constant 0 : i32
    %dma_wait3A_172 = arith.constant 0 : i32
    %dma_wait3A_173 = arith.constant 0 : i32
    %dma_wait3A_174 = arith.constant 0 : i32
    %dma_wait3A_175 = arith.constant 0 : i32
    %dma_wait3A_176 = arith.constant 0 : i32
    %dma_wait3A_177 = tpu.memref_slice %arg7[%dma_wait3A_169, %dma_wait3A_170, %dma_wait3A_174, %dma_wait3A_175, %dma_wait3A_176] : memref<2x4x5x8x129xf32, #tpu.memory_space<vmem>> -> memref<1x1x4x8x128xf32, #tpu.memory_space<vmem>>
    %dma_wait3A_178 = tpu.memref_squeeze %dma_wait3A_177 : memref<1x1x4x8x128xf32, #tpu.memory_space<vmem>> -> memref<4x8x128xf32, #tpu.memory_space<vmem>>
    %dma_wait3A_179 = arith.constant 0 : i32
    %dma_wait3A_180 = arith.constant 0 : i32
    %dma_wait3A_181 = arith.constant 0 : i32
    %dma_wait3A_182 = tpu.memref_slice %arg4[%dma_wait3A_171, %dma_wait3A_172, %dma_wait3A_179, %dma_wait3A_180, %dma_wait3A_181] : memref<26x4x128x8x128xf32, #tpu.memory_space<hbm>> -> memref<1x1x4x8x128xf32, #tpu.memory_space<hbm>>
    %dma_wait3A_183 = tpu.memref_squeeze %dma_wait3A_182 : memref<1x1x4x8x128xf32, #tpu.memory_space<hbm>> -> memref<4x8x128xf32, #tpu.memory_space<hbm>>
    %dma_wait3A_184 = tpu.memref_slice %arg10[%dma_wait3A_173] : memref<2x!tpu.dma_semaphore, #tpu.memory_space<semaphore_mem>> -> memref<1x!tpu.dma_semaphore, #tpu.memory_space<semaphore_mem>>
    %dma_wait3A_185 = tpu.memref_squeeze %dma_wait3A_184 : memref<1x!tpu.dma_semaphore, #tpu.memory_space<semaphore_mem>> -> memref<!tpu.dma_semaphore, #tpu.memory_space<semaphore_mem>>
    %dma_wait3A_186 = arith.constant 0 : i32
    %dma_wait3A_187 = arith.constant 0 : i32
    %dma_wait3A_188 = arith.constant 0 : i32
    %dma_wait3A_189 = tpu.memref_slice %arg4[%dma_wait3A_171, %dma_wait3A_172, %dma_wait3A_186, %dma_wait3A_187, %dma_wait3A_188] : memref<26x4x128x8x128xf32, #tpu.memory_space<hbm>> -> memref<1x1x4x8x128xf32, #tpu.memory_space<hbm>>
    %dma_wait3A_190 = tpu.memref_squeeze %dma_wait3A_189 : memref<1x1x4x8x128xf32, #tpu.memory_space<hbm>> -> memref<4x8x128xf32, #tpu.memory_space<hbm>>
    %dma_wait3A_191 = arith.constant 0 : i32
    %dma_wait3A_192 = arith.constant 0 : i32
    %dma_wait3A_193 = arith.constant 0 : i32
    %dma_wait3A_194 = tpu.memref_slice %arg7[%dma_wait3A_169, %dma_wait3A_170, %dma_wait3A_191, %dma_wait3A_192, %dma_wait3A_193] : memref<2x4x5x8x129xf32, #tpu.memory_space<vmem>> -> memref<1x1x4x8x128xf32, #tpu.memory_space<vmem>>
    %dma_wait3A_195 = tpu.memref_squeeze %dma_wait3A_194 : memref<1x1x4x8x128xf32, #tpu.memory_space<vmem>> -> memref<4x8x128xf32, #tpu.memory_space<vmem>>
    tpu.wait_dma2 semaphore(%dma_wait3A_185 : memref<!tpu.dma_semaphore, #tpu.memory_space<semaphore_mem>>) src(%dma_wait3A_195 : memref<4x8x128xf32, #tpu.memory_space<vmem>>) dst(%dma_wait3A_190 : memref<4x8x128xf32, #tpu.memory_space<hbm>>)
    %dma_wait3A_196 = arith.constant 0 : i32
    %dma_wait3A_197 = arith.constant 0 : i32
    %dma_wait3A_198 = arith.constant 0 : i32
    %dma_wait3A_199 = arith.constant 0 : i32
    %dma_wait3A_200 = arith.constant 0 : i32
    %dma_wait3A_201 = arith.constant 0 : i32
    %dma_wait3A_202 = arith.constant 0 : i32
    %dma_wait3A_203 = arith.constant 0 : i32
    %dma_wait3A_204 = tpu.memref_slice %arg7[%dma_wait3A_196, %dma_wait3A_197, %dma_wait3A_201, %dma_wait3A_202, %dma_wait3A_203] : memref<2x4x5x8x129xf32, #tpu.memory_space<vmem>> -> memref<1x1x4x8x128xf32, #tpu.memory_space<vmem>>
    %dma_wait3A_205 = tpu.memref_squeeze %dma_wait3A_204 : memref<1x1x4x8x128xf32, #tpu.memory_space<vmem>> -> memref<4x8x128xf32, #tpu.memory_space<vmem>>
    %dma_wait3A_206 = arith.constant 0 : i32
    %dma_wait3A_207 = arith.constant 0 : i32
    %dma_wait3A_208 = arith.constant 0 : i32
    %dma_wait3A_209 = tpu.memref_slice %arg4[%dma_wait3A_198, %dma_wait3A_199, %dma_wait3A_206, %dma_wait3A_207, %dma_wait3A_208] : memref<26x4x128x8x128xf32, #tpu.memory_space<hbm>> -> memref<1x1x4x8x128xf32, #tpu.memory_space<hbm>>
    %dma_wait3A_210 = tpu.memref_squeeze %dma_wait3A_209 : memref<1x1x4x8x128xf32, #tpu.memory_space<hbm>> -> memref<4x8x128xf32, #tpu.memory_space<hbm>>
    %dma_wait3A_211 = tpu.memref_slice %arg10[%dma_wait3A_200] : memref<2x!tpu.dma_semaphore, #tpu.memory_space<semaphore_mem>> -> memref<1x!tpu.dma_semaphore, #tpu.memory_space<semaphore_mem>>
    %dma_wait3A_212 = tpu.memref_squeeze %dma_wait3A_211 : memref<1x!tpu.dma_semaphore, #tpu.memory_space<semaphore_mem>> -> memref<!tpu.dma_semaphore, #tpu.memory_space<semaphore_mem>>
    %dma_wait3A_213 = arith.constant 0 : i32
    %dma_wait3A_214 = arith.constant 0 : i32
    %dma_wait3A_215 = arith.constant 0 : i32
    %dma_wait3A_216 = tpu.memref_slice %arg4[%dma_wait3A_198, %dma_wait3A_199, %dma_wait3A_213, %dma_wait3A_214, %dma_wait3A_215] : memref<26x4x128x8x128xf32, #tpu.memory_space<hbm>> -> memref<1x1x4x8x128xf32, #tpu.memory_space<hbm>>
    %dma_wait3A_217 = tpu.memref_squeeze %dma_wait3A_216 : memref<1x1x4x8x128xf32, #tpu.memory_space<hbm>> -> memref<4x8x128xf32, #tpu.memory_space<hbm>>
    %dma_wait3A_218 = arith.constant 0 : i32
    %dma_wait3A_219 = arith.constant 0 : i32
    %dma_wait3A_220 = arith.constant 0 : i32
    %dma_wait3A_221 = tpu.memref_slice %arg7[%dma_wait3A_196, %dma_wait3A_197, %dma_wait3A_218, %dma_wait3A_219, %dma_wait3A_220] : memref<2x4x5x8x129xf32, #tpu.memory_space<vmem>> -> memref<1x1x4x8x128xf32, #tpu.memory_space<vmem>>
    %dma_wait3A_222 = tpu.memref_squeeze %dma_wait3A_221 : memref<1x1x4x8x128xf32, #tpu.memory_space<vmem>> -> memref<4x8x128xf32, #tpu.memory_space<vmem>>
    tpu.wait_dma2 semaphore(%dma_wait3A_212 : memref<!tpu.dma_semaphore, #tpu.memory_space<semaphore_mem>>) src(%dma_wait3A_222 : memref<4x8x128xf32, #tpu.memory_space<vmem>>) dst(%dma_wait3A_217 : memref<4x8x128xf32, #tpu.memory_space<hbm>>)
    %dma_wait3A_223 = arith.constant 0 : i32
    %dma_wait3A_224 = arith.constant 0 : i32
    %dma_wait3A_225 = arith.constant 0 : i32
    %dma_wait3A_226 = arith.constant 0 : i32
    %dma_wait3A_227 = arith.constant 0 : i32
    %dma_wait3A_228 = arith.constant 0 : i32
    %dma_wait3A_229 = arith.constant 0 : i32
    %dma_wait3A_230 = arith.constant 0 : i32
    %dma_wait3A_231 = tpu.memref_slice %arg7[%dma_wait3A_223, %dma_wait3A_224, %dma_wait3A_228, %dma_wait3A_229, %dma_wait3A_230] : memref<2x4x5x8x129xf32, #tpu.memory_space<vmem>> -> memref<1x1x4x8x128xf32, #tpu.memory_space<vmem>>
    %dma_wait3A_232 = tpu.memref_squeeze %dma_wait3A_231 : memref<1x1x4x8x128xf32, #tpu.memory_space<vmem>> -> memref<4x8x128xf32, #tpu.memory_space<vmem>>
    %dma_wait3A_233 = arith.constant 0 : i32
    %dma_wait3A_234 = arith.constant 0 : i32
    %dma_wait3A_235 = arith.constant 0 : i32
    %dma_wait3A_236 = tpu.memref_slice %arg4[%dma_wait3A_225, %dma_wait3A_226, %dma_wait3A_233, %dma_wait3A_234, %dma_wait3A_235] : memref<26x4x128x8x128xf32, #tpu.memory_space<hbm>> -> memref<1x1x4x8x128xf32, #tpu.memory_space<hbm>>
    %dma_wait3A_237 = tpu.memref_squeeze %dma_wait3A_236 : memref<1x1x4x8x128xf32, #tpu.memory_space<hbm>> -> memref<4x8x128xf32, #tpu.memory_space<hbm>>
    %dma_wait3A_238 = tpu.memref_slice %arg10[%dma_wait3A_227] : memref<2x!tpu.dma_semaphore, #tpu.memory_space<semaphore_mem>> -> memref<1x!tpu.dma_semaphore, #tpu.memory_space<semaphore_mem>>
    %dma_wait3A_239 = tpu.memref_squeeze %dma_wait3A_238 : memref<1x!tpu.dma_semaphore, #tpu.memory_space<semaphore_mem>> -> memref<!tpu.dma_semaphore, #tpu.memory_space<semaphore_mem>>
    %dma_wait3A_240 = arith.constant 0 : i32
    %dma_wait3A_241 = arith.constant 0 : i32
    %dma_wait3A_242 = arith.constant 0 : i32
    %dma_wait3A_243 = tpu.memref_slice %arg4[%dma_wait3A_225, %dma_wait3A_226, %dma_wait3A_240, %dma_wait3A_241, %dma_wait3A_242] : memref<26x4x128x8x128xf32, #tpu.memory_space<hbm>> -> memref<1x1x4x8x128xf32, #tpu.memory_space<hbm>>
    %dma_wait3A_244 = tpu.memref_squeeze %dma_wait3A_243 : memref<1x1x4x8x128xf32, #tpu.memory_space<hbm>> -> memref<4x8x128xf32, #tpu.memory_space<hbm>>
    %dma_wait3A_245 = arith.constant 0 : i32
    %dma_wait3A_246 = arith.constant 0 : i32
    %dma_wait3A_247 = arith.constant 0 : i32
    %dma_wait3A_248 = tpu.memref_slice %arg7[%dma_wait3A_223, %dma_wait3A_224, %dma_wait3A_245, %dma_wait3A_246, %dma_wait3A_247] : memref<2x4x5x8x129xf32, #tpu.memory_space<vmem>> -> memref<1x1x4x8x128xf32, #tpu.memory_space<vmem>>
    %dma_wait3A_249 = tpu.memref_squeeze %dma_wait3A_248 : memref<1x1x4x8x128xf32, #tpu.memory_space<vmem>> -> memref<4x8x128xf32, #tpu.memory_space<vmem>>
    tpu.wait_dma2 semaphore(%dma_wait3A_239 : memref<!tpu.dma_semaphore, #tpu.memory_space<semaphore_mem>>) src(%dma_wait3A_249 : memref<4x8x128xf32, #tpu.memory_space<vmem>>) dst(%dma_wait3A_244 : memref<4x8x128xf32, #tpu.memory_space<hbm>>)
    %dma_wait3A_250 = arith.constant 1 : i32
    %dma_wait3A_251 = arith.constant 0 : i32
    %dma_wait3A_252 = arith.constant 0 : i32
    %dma_wait3A_253 = arith.constant 0 : i32
    %dma_wait3A_254 = arith.constant 1 : i32
    %dma_wait3A_255 = arith.constant 0 : i32
    %dma_wait3A_256 = arith.constant 0 : i32
    %dma_wait3A_257 = arith.constant 0 : i32
    %dma_wait3A_258 = tpu.memref_slice %arg7[%dma_wait3A_250, %dma_wait3A_251, %dma_wait3A_255, %dma_wait3A_256, %dma_wait3A_257] : memref<2x4x5x8x129xf32, #tpu.memory_space<vmem>> -> memref<1x1x4x8x128xf32, #tpu.memory_space<vmem>>
    %dma_wait3A_259 = tpu.memref_squeeze %dma_wait3A_258 : memref<1x1x4x8x128xf32, #tpu.memory_space<vmem>> -> memref<4x8x128xf32, #tpu.memory_space<vmem>>
    %dma_wait3A_260 = arith.constant 0 : i32
    %dma_wait3A_261 = arith.constant 0 : i32
    %dma_wait3A_262 = arith.constant 0 : i32
    %dma_wait3A_263 = tpu.memref_slice %arg4[%dma_wait3A_252, %dma_wait3A_253, %dma_wait3A_260, %dma_wait3A_261, %dma_wait3A_262] : memref<26x4x128x8x128xf32, #tpu.memory_space<hbm>> -> memref<1x1x4x8x128xf32, #tpu.memory_space<hbm>>
    %dma_wait3A_264 = tpu.memref_squeeze %dma_wait3A_263 : memref<1x1x4x8x128xf32, #tpu.memory_space<hbm>> -> memref<4x8x128xf32, #tpu.memory_space<hbm>>
    %dma_wait3A_265 = tpu.memref_slice %arg10[%dma_wait3A_254] : memref<2x!tpu.dma_semaphore, #tpu.memory_space<semaphore_mem>> -> memref<1x!tpu.dma_semaphore, #tpu.memory_space<semaphore_mem>>
    %dma_wait3A_266 = tpu.memref_squeeze %dma_wait3A_265 : memref<1x!tpu.dma_semaphore, #tpu.memory_space<semaphore_mem>> -> memref<!tpu.dma_semaphore, #tpu.memory_space<semaphore_mem>>
    %dma_wait3A_267 = arith.constant 0 : i32
    %dma_wait3A_268 = arith.constant 0 : i32
    %dma_wait3A_269 = arith.constant 0 : i32
    %dma_wait3A_270 = tpu.memref_slice %arg4[%dma_wait3A_252, %dma_wait3A_253, %dma_wait3A_267, %dma_wait3A_268, %dma_wait3A_269] : memref<26x4x128x8x128xf32, #tpu.memory_space<hbm>> -> memref<1x1x4x8x128xf32, #tpu.memory_space<hbm>>
    %dma_wait3A_271 = tpu.memref_squeeze %dma_wait3A_270 : memref<1x1x4x8x128xf32, #tpu.memory_space<hbm>> -> memref<4x8x128xf32, #tpu.memory_space<hbm>>
    %dma_wait3A_272 = arith.constant 0 : i32
    %dma_wait3A_273 = arith.constant 0 : i32
    %dma_wait3A_274 = arith.constant 0 : i32
    %dma_wait3A_275 = tpu.memref_slice %arg7[%dma_wait3A_250, %dma_wait3A_251, %dma_wait3A_272, %dma_wait3A_273, %dma_wait3A_274] : memref<2x4x5x8x129xf32, #tpu.memory_space<vmem>> -> memref<1x1x4x8x128xf32, #tpu.memory_space<vmem>>
    %dma_wait3A_276 = tpu.memref_squeeze %dma_wait3A_275 : memref<1x1x4x8x128xf32, #tpu.memory_space<vmem>> -> memref<4x8x128xf32, #tpu.memory_space<vmem>>
    tpu.wait_dma2 semaphore(%dma_wait3A_266 : memref<!tpu.dma_semaphore, #tpu.memory_space<semaphore_mem>>) src(%dma_wait3A_276 : memref<4x8x128xf32, #tpu.memory_space<vmem>>) dst(%dma_wait3A_271 : memref<4x8x128xf32, #tpu.memory_space<hbm>>)
    %dma_wait3A_277 = arith.constant 1 : i32
    %dma_wait3A_278 = arith.constant 0 : i32
    %dma_wait3A_279 = arith.constant 0 : i32
    %dma_wait3A_280 = arith.constant 0 : i32
    %dma_wait3A_281 = arith.constant 1 : i32
    %dma_wait3A_282 = arith.constant 0 : i32
    %dma_wait3A_283 = arith.constant 0 : i32
    %dma_wait3A_284 = arith.constant 0 : i32
    %dma_wait3A_285 = tpu.memref_slice %arg7[%dma_wait3A_277, %dma_wait3A_278, %dma_wait3A_282, %dma_wait3A_283, %dma_wait3A_284] : memref<2x4x5x8x129xf32, #tpu.memory_space<vmem>> -> memref<1x1x4x8x128xf32, #tpu.memory_space<vmem>>
    %dma_wait3A_286 = tpu.memref_squeeze %dma_wait3A_285 : memref<1x1x4x8x128xf32, #tpu.memory_space<vmem>> -> memref<4x8x128xf32, #tpu.memory_space<vmem>>
    %dma_wait3A_287 = arith.constant 0 : i32
    %dma_wait3A_288 = arith.constant 0 : i32
    %dma_wait3A_289 = arith.constant 0 : i32
    %dma_wait3A_290 = tpu.memref_slice %arg4[%dma_wait3A_279, %dma_wait3A_280, %dma_wait3A_287, %dma_wait3A_288, %dma_wait3A_289] : memref<26x4x128x8x128xf32, #tpu.memory_space<hbm>> -> memref<1x1x4x8x128xf32, #tpu.memory_space<hbm>>
    %dma_wait3A_291 = tpu.memref_squeeze %dma_wait3A_290 : memref<1x1x4x8x128xf32, #tpu.memory_space<hbm>> -> memref<4x8x128xf32, #tpu.memory_space<hbm>>
    %dma_wait3A_292 = tpu.memref_slice %arg10[%dma_wait3A_281] : memref<2x!tpu.dma_semaphore, #tpu.memory_space<semaphore_mem>> -> memref<1x!tpu.dma_semaphore, #tpu.memory_space<semaphore_mem>>
    %dma_wait3A_293 = tpu.memref_squeeze %dma_wait3A_292 : memref<1x!tpu.dma_semaphore, #tpu.memory_space<semaphore_mem>> -> memref<!tpu.dma_semaphore, #tpu.memory_space<semaphore_mem>>
    %dma_wait3A_294 = arith.constant 0 : i32
    %dma_wait3A_295 = arith.constant 0 : i32
    %dma_wait3A_296 = arith.constant 0 : i32
    %dma_wait3A_297 = tpu.memref_slice %arg4[%dma_wait3A_279, %dma_wait3A_280, %dma_wait3A_294, %dma_wait3A_295, %dma_wait3A_296] : memref<26x4x128x8x128xf32, #tpu.memory_space<hbm>> -> memref<1x1x4x8x128xf32, #tpu.memory_space<hbm>>
    %dma_wait3A_298 = tpu.memref_squeeze %dma_wait3A_297 : memref<1x1x4x8x128xf32, #tpu.memory_space<hbm>> -> memref<4x8x128xf32, #tpu.memory_space<hbm>>
    %dma_wait3A_299 = arith.constant 0 : i32
    %dma_wait3A_300 = arith.constant 0 : i32
    %dma_wait3A_301 = arith.constant 0 : i32
    %dma_wait3A_302 = tpu.memref_slice %arg7[%dma_wait3A_277, %dma_wait3A_278, %dma_wait3A_299, %dma_wait3A_300, %dma_wait3A_301] : memref<2x4x5x8x129xf32, #tpu.memory_space<vmem>> -> memref<1x1x4x8x128xf32, #tpu.memory_space<vmem>>
    %dma_wait3A_303 = tpu.memref_squeeze %dma_wait3A_302 : memref<1x1x4x8x128xf32, #tpu.memory_space<vmem>> -> memref<4x8x128xf32, #tpu.memory_space<vmem>>
    tpu.wait_dma2 semaphore(%dma_wait3A_293 : memref<!tpu.dma_semaphore, #tpu.memory_space<semaphore_mem>>) src(%dma_wait3A_303 : memref<4x8x128xf32, #tpu.memory_space<vmem>>) dst(%dma_wait3A_298 : memref<4x8x128xf32, #tpu.memory_space<hbm>>)
    %dma_wait3A_304 = arith.constant 1 : i32
    %dma_wait3A_305 = arith.constant 0 : i32
    %dma_wait3A_306 = arith.constant 0 : i32
    %dma_wait3A_307 = arith.constant 0 : i32
    %dma_wait3A_308 = arith.constant 1 : i32
    %dma_wait3A_309 = arith.constant 0 : i32
    %dma_wait3A_310 = arith.constant 0 : i32
    %dma_wait3A_311 = arith.constant 0 : i32
    %dma_wait3A_312 = tpu.memref_slice %arg7[%dma_wait3A_304, %dma_wait3A_305, %dma_wait3A_309, %dma_wait3A_310, %dma_wait3A_311] : memref<2x4x5x8x129xf32, #tpu.memory_space<vmem>> -> memref<1x1x4x8x128xf32, #tpu.memory_space<vmem>>
    %dma_wait3A_313 = tpu.memref_squeeze %dma_wait3A_312 : memref<1x1x4x8x128xf32, #tpu.memory_space<vmem>> -> memref<4x8x128xf32, #tpu.memory_space<vmem>>
    %dma_wait3A_314 = arith.constant 0 : i32
    %dma_wait3A_315 = arith.constant 0 : i32
    %dma_wait3A_316 = arith.constant 0 : i32
    %dma_wait3A_317 = tpu.memref_slice %arg4[%dma_wait3A_306, %dma_wait3A_307, %dma_wait3A_314, %dma_wait3A_315, %dma_wait3A_316] : memref<26x4x128x8x128xf32, #tpu.memory_space<hbm>> -> memref<1x1x4x8x128xf32, #tpu.memory_space<hbm>>
    %dma_wait3A_318 = tpu.memref_squeeze %dma_wait3A_317 : memref<1x1x4x8x128xf32, #tpu.memory_space<hbm>> -> memref<4x8x128xf32, #tpu.memory_space<hbm>>
    %dma_wait3A_319 = tpu.memref_slice %arg10[%dma_wait3A_308] : memref<2x!tpu.dma_semaphore, #tpu.memory_space<semaphore_mem>> -> memref<1x!tpu.dma_semaphore, #tpu.memory_space<semaphore_mem>>
    %dma_wait3A_320 = tpu.memref_squeeze %dma_wait3A_319 : memref<1x!tpu.dma_semaphore, #tpu.memory_space<semaphore_mem>> -> memref<!tpu.dma_semaphore, #tpu.memory_space<semaphore_mem>>
    %dma_wait3A_321 = arith.constant 0 : i32
    %dma_wait3A_322 = arith.constant 0 : i32
    %dma_wait3A_323 = arith.constant 0 : i32
    %dma_wait3A_324 = tpu.memref_slice %arg4[%dma_wait3A_306, %dma_wait3A_307, %dma_wait3A_321, %dma_wait3A_322, %dma_wait3A_323] : memref<26x4x128x8x128xf32, #tpu.memory_space<hbm>> -> memref<1x1x4x8x128xf32, #tpu.memory_space<hbm>>
    %dma_wait3A_325 = tpu.memref_squeeze %dma_wait3A_324 : memref<1x1x4x8x128xf32, #tpu.memory_space<hbm>> -> memref<4x8x128xf32, #tpu.memory_space<hbm>>
    %dma_wait3A_326 = arith.constant 0 : i32
    %dma_wait3A_327 = arith.constant 0 : i32
    %dma_wait3A_328 = arith.constant 0 : i32
    %dma_wait3A_329 = tpu.memref_slice %arg7[%dma_wait3A_304, %dma_wait3A_305, %dma_wait3A_326, %dma_wait3A_327, %dma_wait3A_328] : memref<2x4x5x8x129xf32, #tpu.memory_space<vmem>> -> memref<1x1x4x8x128xf32, #tpu.memory_space<vmem>>
    %dma_wait3A_330 = tpu.memref_squeeze %dma_wait3A_329 : memref<1x1x4x8x128xf32, #tpu.memory_space<vmem>> -> memref<4x8x128xf32, #tpu.memory_space<vmem>>
    tpu.wait_dma2 semaphore(%dma_wait3A_320 : memref<!tpu.dma_semaphore, #tpu.memory_space<semaphore_mem>>) src(%dma_wait3A_330 : memref<4x8x128xf32, #tpu.memory_space<vmem>>) dst(%dma_wait3A_325 : memref<4x8x128xf32, #tpu.memory_space<hbm>>)
    %dma_wait3A_331 = arith.constant 1 : i32
    %dma_wait3A_332 = arith.constant 0 : i32
    %dma_wait3A_333 = arith.constant 0 : i32
    %dma_wait3A_334 = arith.constant 0 : i32
    %dma_wait3A_335 = arith.constant 1 : i32
    %dma_wait3A_336 = arith.constant 0 : i32
    %dma_wait3A_337 = arith.constant 0 : i32
    %dma_wait3A_338 = arith.constant 0 : i32
    %dma_wait3A_339 = tpu.memref_slice %arg7[%dma_wait3A_331, %dma_wait3A_332, %dma_wait3A_336, %dma_wait3A_337, %dma_wait3A_338] : memref<2x4x5x8x129xf32, #tpu.memory_space<vmem>> -> memref<1x1x4x8x128xf32, #tpu.memory_space<vmem>>
    %dma_wait3A_340 = tpu.memref_squeeze %dma_wait3A_339 : memref<1x1x4x8x128xf32, #tpu.memory_space<vmem>> -> memref<4x8x128xf32, #tpu.memory_space<vmem>>
    %dma_wait3A_341 = arith.constant 0 : i32
    %dma_wait3A_342 = arith.constant 0 : i32
    %dma_wait3A_343 = arith.constant 0 : i32
    %dma_wait3A_344 = tpu.memref_slice %arg4[%dma_wait3A_333, %dma_wait3A_334, %dma_wait3A_341, %dma_wait3A_342, %dma_wait3A_343] : memref<26x4x128x8x128xf32, #tpu.memory_space<hbm>> -> memref<1x1x4x8x128xf32, #tpu.memory_space<hbm>>
    %dma_wait3A_345 = tpu.memref_squeeze %dma_wait3A_344 : memref<1x1x4x8x128xf32, #tpu.memory_space<hbm>> -> memref<4x8x128xf32, #tpu.memory_space<hbm>>
    %dma_wait3A_346 = tpu.memref_slice %arg10[%dma_wait3A_335] : memref<2x!tpu.dma_semaphore, #tpu.memory_space<semaphore_mem>> -> memref<1x!tpu.dma_semaphore, #tpu.memory_space<semaphore_mem>>
    %dma_wait3A_347 = tpu.memref_squeeze %dma_wait3A_346 : memref<1x!tpu.dma_semaphore, #tpu.memory_space<semaphore_mem>> -> memref<!tpu.dma_semaphore, #tpu.memory_space<semaphore_mem>>
    %dma_wait3A_348 = arith.constant 0 : i32
    %dma_wait3A_349 = arith.constant 0 : i32
    %dma_wait3A_350 = arith.constant 0 : i32
    %dma_wait3A_351 = tpu.memref_slice %arg4[%dma_wait3A_333, %dma_wait3A_334, %dma_wait3A_348, %dma_wait3A_349, %dma_wait3A_350] : memref<26x4x128x8x128xf32, #tpu.memory_space<hbm>> -> memref<1x1x4x8x128xf32, #tpu.memory_space<hbm>>
    %dma_wait3A_352 = tpu.memref_squeeze %dma_wait3A_351 : memref<1x1x4x8x128xf32, #tpu.memory_space<hbm>> -> memref<4x8x128xf32, #tpu.memory_space<hbm>>
    %dma_wait3A_353 = arith.constant 0 : i32
    %dma_wait3A_354 = arith.constant 0 : i32
    %dma_wait3A_355 = arith.constant 0 : i32
    %dma_wait3A_356 = tpu.memref_slice %arg7[%dma_wait3A_331, %dma_wait3A_332, %dma_wait3A_353, %dma_wait3A_354, %dma_wait3A_355] : memref<2x4x5x8x129xf32, #tpu.memory_space<vmem>> -> memref<1x1x4x8x128xf32, #tpu.memory_space<vmem>>
    %dma_wait3A_357 = tpu.memref_squeeze %dma_wait3A_356 : memref<1x1x4x8x128xf32, #tpu.memory_space<vmem>> -> memref<4x8x128xf32, #tpu.memory_space<vmem>>
    tpu.wait_dma2 semaphore(%dma_wait3A_347 : memref<!tpu.dma_semaphore, #tpu.memory_space<semaphore_mem>>) src(%dma_wait3A_357 : memref<4x8x128xf32, #tpu.memory_space<vmem>>) dst(%dma_wait3A_352 : memref<4x8x128xf32, #tpu.memory_space<hbm>>)
    return
  }
}

</mosaic_0001>

<sc_bundles>
// kernel: kernel.3.cloned.1.call-start
scs
__scs_entry_jumppad:
0x0: {  	(pc) =	sbr.rel $0x88, $3  }
0x1: {  	(tag) =	ssettag $0x0;
	lr =	simm.s32 $0x1  }
0x2: {  	[smem:$0x3F9F] =	sst lr;
	_ =	strace $0xD0000000  }
0x3: {  	_ = 	snop  }
0x4: {  	_ = 	snop  }
0x5: {  	_ = 	snop  }
0x6: {  	_ = 	snop  }
0x7: {  	_ = 	snop  }
__scs_overlays_trampoline_lowered:
0x8: {  	[smem:$0x3FAE] =	sst s0  }
0x9: {  	[smem:$0x3FAF] =	sst s1  }
0xa: {  	[smem:$0x3FB0] =	sst s2  }
0xb: {  	[smem:$0x3FB1] =	sst s3  }
0xc: {  	[smem:$0x3FB2] =	sst s4  }
0xd: {  	[smem:$0x3FB3] =	sst s5  }
0xe: {  	[smem:$0x3FB4] =	sst s6  }
0xf: {  	[smem:$0x3FB5] =	sst s7  }
0x10: {  	[smem:$0x3FB6] =	sst s8  }
0x11: {  	[smem:$0x3FB7] =	sst s9;
	s0 =	simm.s32 @!p0 $0x0  }
0x12: {  	s1 =	sld [smem:$0x3F9D];
	s0 =	simm.s32 @p0 $0x1  }
0x13: {  	[smem:$0x3FB8] =	sst s0;
	s0 =	simm.s32 @!p1 $0x0  }
0x14: {  	s2 =	sld [smem:$0x3F9C];
	s0 =	simm.s32 @p1 $0x1  }
0x15: {  	[smem:$0x3FB9] =	sst s0;
	s0 =	simm.s32 @!p2 $0x0  }
0x16: {  	s3 =	sld [smem:$0x3FDB];
	s0 =	simm.s32 @p2 $0x1  }
0x17: {  	s4 =	simm.s32 $0x1BF5;
	[smem:$0x3FBB] =	sst s0  }
0x18: {  	s0 =	sld [smem:$0x3F9E];
	_ =	swait.ge [sflag:s4], $0x0  }
0x19: {  	s7 =	sld [smem:$0x3F9F]  }
0x1a: {  	s8 =	sadd.s32 $0xFFFFE003, lr  }
0x1b: {  	s9 =	sadd.s32 $0xFFFFFEF7, lr;
	s5 =	simm.s32 $0xFFFFFFFF;
	p2 =	slt.u32 s8, $0xFFFFF086  }
0x1c: {  	p1 =	slt.u32 s9, $0xF7A;
	s5 =	simm.s32 @!p2 $0x0  }
0x1d: {  	s5 =	simm.s32 @p1 $0x1;
	p0 =	seq.s32 s7, s2  }
0x1e: {  	s7 =	smul.u32 @!p0 $0xF7A, s2;
	p2 =	seq.s32 @!p0 s5, $0x0  }
0x1f: {  	s9 =	smul.u32 $0xF7A, s1;
	s8 =	simm.s32 @!p0 $0x1BF5;
	p2 =	por !p2, p0  }
0x20: {  	[sflag:s8] =	ssyncset.s32 @!p0 $0xFFFFF086;
	s6 =	sadd.s32 @!p0 s3, s7;
	s7 =	simm.s32 @!p0 $0x108  }
0x21: {  	s3 =	sadd.s32 s3, s9;
	s6 =	sadd.s32 @!p0 $0x88, s6;
	s7 =	simm.s32 @p2 $0x1082  }
0x22: {  	[simem:s7], [sflag:s8] =	dma.local @!p0 [hbm:s6], $0xF7A  }
0x23: {  	s9 =	sor.u32 $0xD0000000, s2;
	s6 =	simm.s32 $0x108;
	_ =	swait.ge @!p0 [sflag:s8], $0x0  }
0x24: {  	s3 =	sadd.s32 $0x88, s3;
	s6 =	simm.s32 @!p1 $0x1082;
	[sflag:s4] =	ssyncset.s32 $0xFFFFF086  }
0x25: {  	[simem:s6], [sflag:s4] =	dma.local [hbm:s3], $0xF7A  }
0x26: {  	[smem:$0x3F9F] =	sst s1;
	(tag) =	ssettag s2;
	_ =	strace s9  }
0x27: {  	s1 =	sld [smem:$0x3FAF]  }
0x28: {  	s2 =	sld [smem:$0x3FB0]  }
0x29: {  	s4 =	sld [smem:$0x3FB2]  }
0x2a: {  	p0 =	seq.s32 s5, $0x0;
	s5 =	sld [smem:$0x3FB3]  }
0x2b: {  	s6 =	sld [smem:$0x3FB4]  }
0x2c: {  	s7 =	sld [smem:$0x3FB5]  }
0x2d: {  	s3 =	simm.s32 $0x108;
	s8 =	sld [smem:$0x3FB6]  }
0x2e: {  	s3 =	simm.s32 @!p0 $0x1082;
	s9 =	sld [smem:$0x3FB7]  }
0x2f: {  	lr =	sadd.s32 s0, s3;
	s0 =	sld [smem:$0x3FAE]  }
0x30: {  	s3 =	sld [smem:$0x3FB1]  }
0x31: {  	[smem:$0x3FBA] =	sst s10  }
0x32: {  	s10 =	sld [smem:$0x3FB8];
	_ =	sdelay $0x3  }
0x33: {  	p0 =	seq.s32 s10, $0x1;
	s10 =	sld [smem:$0x3FBA];
	_ =	sdelay $0x3  }
0x34: {  	[smem:$0x3FBA] =	sst s10  }
0x35: {  	s10 =	sld [smem:$0x3FB9];
	_ =	sdelay $0x3  }
0x36: {  	p1 =	seq.s32 s10, $0x1;
	s10 =	sld [smem:$0x3FBA];
	_ =	sdelay $0x3  }
0x37: {  	[smem:$0x3FBA] =	sst s10  }
0x38: {  	s10 =	sld [smem:$0x3FBB]  }
0x39: {  	_ = 	snop;
	(pc) =	sbr.ind lr, $3  }
0x3a: {  	_ = 	snop  }
0x3b: {  	_ = 	snop  }
0x3c: {  	p2 =	seq.s32 s10, $0x1;
	s10 =	sld [smem:$0x3FBA]  }
0x3d: {  	_ =	shalt  }
0x3e: {  	_ =	shalt  }
0x3f: {  	_ =	shalt  }
0x40: {  	_ =	shalt  }
0x41: {  	_ =	shalt  }
0x42: {  	_ =	shalt  }
0x43: {  	_ =	shalt  }
0x44: {  	_ =	shalt  }
0x45: {  	_ =	shalt  }
0x46: {  	_ =	shalt  }
0x47: {  	_ =	shalt  }
0x48: {  	_ =	shalt  }
0x49: {  	_ =	shalt  }
0x4a: {  	_ =	shalt  }
0x4b: {  	_ =	shalt  }
0x4c: {  	_ =	shalt  }
0x4d: {  	_ =	shalt  }
0x4e: {  	_ =	shalt  }
0x4f: {  	_ =	shalt  }
0x50: {  	_ =	shalt  }
0x51: {  	_ =	shalt  }
0x52: {  	_ =	shalt  }
0x53: {  	_ =	shalt  }
0x54: {  	_ =	shalt  }
0x55: {  	_ =	shalt  }
0x56: {  	_ =	shalt  }
0x57: {  	_ =	shalt  }
0x58: {  	_ =	shalt  }
0x59: {  	_ =	shalt  }
0x5a: {  	_ =	shalt  }
0x5b: {  	_ =	shalt  }
0x5c: {  	_ =	shalt  }
0x5d: {  	_ =	shalt  }
0x5e: {  	_ =	shalt  }
0x5f: {  	_ =	shalt  }
0x60: {  	_ =	shalt  }
0x61: {  	_ =	shalt  }
0x62: {  	_ =	shalt  }
0x63: {  	_ =	shalt  }
0x64: {  	_ =	shalt  }
0x65: {  	_ =	shalt  }
0x66: {  	_ =	shalt  }
0x67: {  	_ =	shalt  }
0x68: {  	_ =	shalt  }
0x69: {  	_ =	shalt  }
0x6a: {  	_ =	shalt  }
0x6b: {  	_ =	shalt  }
0x6c: {  	_ =	shalt  }
0x6d: {  	_ =	shalt  }
0x6e: {  	_ =	shalt  }
0x6f: {  	_ =	shalt  }
0x70: {  	_ =	shalt  }
0x71: {  	_ =	shalt  }
0x72: {  	_ =	shalt  }
0x73: {  	_ =	shalt  }
0x74: {  	_ =	shalt  }
0x75: {  	_ =	shalt  }
0x76: {  	_ =	shalt  }
0x77: {  	_ =	shalt  }
0x78: {  	_ =	shalt  }
0x79: {  	_ =	shalt  }
0x7a: {  	_ =	shalt  }
0x7b: {  	_ =	shalt  }
0x7c: {  	_ =	shalt  }
0x7d: {  	_ =	shalt  }
0x7e: {  	_ =	shalt  }
0x7f: {  	_ =	shalt  }
0x80: {  	_ =	shalt  }
0x81: {  	_ =	shalt  }
0x82: {  	_ =	shalt  }
0x83: {  	_ =	shalt  }
0x84: {  	_ =	shalt  }
0x85: {  	_ =	shalt  }
0x86: {  	_ =	shalt  }
0x87: {  	_ =	shalt  }
.Lfunc_end0:
.L_simem_size_0:
called_computation_lowered:
.L_overlay_start_0:
0x88: {  	s2 =	sld [smem:$0x3FD9]  }
0x89: {  	s3 =	sld [smem:$0x3FFE];
	_ =	sdelay $0x1  }
0x8a: {  	s1 =	srdreg.scid  }
0x8b: {  	s0 =	sand.u32 $0x1, s1  }
0x8c: {  	s17 =	sshll.u32 s0, $0xA;
	s2 =	sadd.s32 s3, s2  }
0x8d: {  	s2 =	sadd.s32 s2, s17  }
0x8e: {  	[smem:$0x3FC6] =	sst s2  }
0x8f: {  	_ = 	snop  }
0x90: {  	s2 =	sld [smem:$0x3FD0];
	(tm) =	ssettm $0x1  }
0x91: {  	s18 =	sld [smem:$0x3FFB];
	_ =	sdelay $0x3  }
0x92: {  	_ =	strace s18  }
0x93: {  	s3 =	sld [smem:$0x3FFC];
	_ =	sdelay $0x3  }
0x94: {  	_ =	strace s3  }
0x95: {  	s3 =	sld [smem:$0x3FFD];
	_ =	sdelay $0x3  }
0x96: {  	_ =	strace s3  }
0x97: {  	_ =	strace $0x8FFFFFFF  }
0x98: {  	s19 =	sld [smem:$0x3FDB];
	_ =	sdelay $0x1  }
0x99: {  	s4 =	simm.s32 $_scs_section_size  }
0x9a: {  	s5 =	simm.s32 $_size__tile_overlayer_lowered;
	s6 =	simm.s32 $_tile_overlayer_lowered  }
0x9b: {  	s22 =	simm.s32 $0x1BFF;
	s21 =	sshll.u32 s6, $0x1;
	s3 =	sadd.s32 s4, s19  }
0x9c: {  	s7 =	simm.s32 $0x0;
	s20 =	sshll.u32 s5, $0x1;
	s5 =	sadd.s32 s21, s3  }
0x9d: {  	[timem:s7], [sflag:s22] =	dma.local [hbm:s5], s20  }
0x9e: {  	_ =	swait.ge [sflag:s22], s20  }
0x9f: {  	s4 =	ssub.s32 $0x0, s20;
	[sflag:s22] =	ssyncset.done $0x0  }
0xa0: {  	[sflag:s22] =	ssyncadd.s32 s4;
	_ =	sdelay $0x1  }
0xa1: {  	s23 =	simm.s32 $0x1B8B  }
0xa2: {  	_ =	swait.ge [sflag:s23], $0x1  }
0xa3: {  	[sflag:s23] =	ssyncset.done $0x0  }
0xa4: {  	s25 =	simm.s32 $0x1B8E;
	s24 =	sld [smem:$0x3FFE];
	[sflag:s23] =	ssyncadd.s32 $0xFFFFFFFF  }
0xa5: {  	s26 =	simm.s32 $execute0_lowered;
	[smem:$0x3FD2] =	sst s25  }
0xa6: {  	s5 =	sshll.u32 s26, $0x1;
	_ =	strace $0x80000046;
	[dreg:$0x1] =	wrdreg $0xFFFFFFFF  }
0xa7: {  	s28 =	simm.s32 $_size_execute0_lowered;
	s3 =	sadd.s32 s3, s5;
	[dreg:$0x0] =	wrdreg $0x0  }
0xa8: {  	s5 =	sshll.u32 s28, $0x1;
	[dreg:$0x2] =	wrdreg s3  }
0xa9: {  	[dreg:$0x3] =	wrdreg s5  }
0xaa: {  	[dreg:$0x4] =	wrdreg $0xC0  }
0xab: {  	_ =	task [dreg:s7], $0x5FFFF  }
0xac: {  	[dreg:$0x1] =	wrdreg $0xFFFFFFFF  }
0xad: {  	[dreg:$0x0] =	wrdreg $0x60  }
0xae: {  	[dreg:$0x2] =	wrdreg s24  }
0xaf: {  	[dreg:$0x3] =	wrdreg s2  }
0xb0: {  	[dreg:$0x4] =	wrdreg $0x9  }
0xb1: {  	_ =	task.clear_ibuf [dreg:s7], $0x5FFFF;
	_ =	strace $0x90000046  }
0xb2: {  	s29 =	simm.s32 $0x9;
	_ =	strace $0x80000048  }
0xb3: {  	_ =	swait.ge [sflag:s29], $0x1  }
0xb4: {  	[sflag:s29] =	ssyncadd.s32 $0xFFFFFFFF  }
0xb5: {  	_ =	strace $0x90000048  }
0xb6: {  	_ =	sfence  }
0xb7: {  	s30 =	sld [smem:$0x0];
	_ =	sdelay $0x2  }
0xb8: {  	s31 =	sshll.u32 s1, $0xD;
	s1 =	sshrl.u32 s1, $0x2  }
0xb9: {  	s3 =	sand.u32 $0x4000, s31;
	s1 =	sadd.s32 s1, s30  }
0xba: {  	s0 =	sor.u32 s3, s0;
	s1 =	sshll.u32 s1, $0x11  }
0xbb: {  	s0 =	sor.u32 s1, s0  }
0xbc: {  	s0 =	sadd.s32 $0x8F2B, s0  }
0xbd: {  	[sflag:s0] =	ssyncadd.remote.s32 $0x1  }
0xbe: {  	_ =	sfence.sel $0xFFFF  }
0xbf: {  	[dreg:$0x0] =	wrdreg $0xFFFFFFFF;
	(pc) =	sbr.abs _section_cstart, $3  }
0xc0: {  	[dreg:$0x1] =	wrdreg $0xFFFFFFFF  }
0xc1: {  	_ =	task.clear_ibuf [dreg:s7], $0x2FFFF;
	_ =	strace $0x9FFFFFFF  }
0xc2: {  	(tm) =	ssettm $0x7FFFFFFF  }
0xc3: {  	_ =	shalt  }
tec
execute0_lowered:
.L_overlay_start_1:
0x0: {  	(tag) =	ssettag $0x1  }
0x1: {  	v0 =	vimm.s32 $0x18F8  }
0x2: {  	vm0 =	vcmask $0x300;
	vm1 =	vcmask $0x704;
	v1 =	vimm.s32 $0x4378  }
0x3: {  	vm2 =	vcmask $0xB08;
	v0 =	vsel vm0, $0x0, v0;
	v1 =	vsel vm0, $0x2A80, v1  }
0x4: {  	vm3 =	vcmask $0xF0C;
	v0 =	vsel vm1, $0x88, v0;
	v1 =	vsel vm1, $0x2B08, v1  }
0x5: {  	vm15 =	vcmask $0x1310;
	v0 =	vsel vm2, $0x110, v0;
	v1 =	vsel vm2, $0x2B90, v1  }
0x6: {  	vm6 =	vcmask $0x1714;
	v0 =	vsel vm3, $0x198, v0;
	v1 =	vsel vm3, $0x2C18, v1  }
0x7: {  	s0 =	srdreg.scid;
	s1 =	rddreg [dreg:$0x0];
	vm7 =	vcmask $0x1B18;
	v0 =	vsel vm15, $0x220, v0;
	v1 =	vsel vm15, $0x2CA0, v1  }
0x8: {  	s3 =	stileid.u32;
	s2 =	rddreg [dreg:$0x1];
	vm8 =	vcmask $0x1F1C;
	v0 =	vsel vm6, $0x2A8, v0;
	v1 =	vsel vm6, $0x2D28, v1  }
0x9: {  	vm9 =	vcmask $0x2320;
	s13 =	simm.s32 $0x1;
	s14 =	simm.s32 $0x80;
	s18 =	simm.s32 $0x5400;
	v0 =	vsel vm7, $0x330, v0;
	v1 =	vsel vm7, $0x2DB0, v1  }
0xa: {  	vm10 =	vcmask $0x2724;
	s19 =	simm.s32 $0x180;
	s20 =	simm.s32 $0x6400;
	s21 =	simm.s32 $0x4;
	v0 =	vsel vm8, $0x3B8, v0;
	v1 =	vsel vm8, $0x2E38, v1  }
0xb: {  	vm11 =	vcmask $0x2B28;
	s22 =	simm.s32 $0x5;
	s23 =	simm.s32 $0x0;
	s0 =	sand.u32 $0x1, s0;
	v0 =	vsel vm9, $0x1540, v0;
	v1 =	vsel vm9, $0x3FC0, v1  }
0xc: {  	vm12 =	vcmask $0x2F2C;
	s4 =	sshll.u32 s3, $0x3;
	s3 =	simm.s32 $0x0;
	s8 =	sadd.s32 $0x8000, s2;
	v0 =	vsel vm10, $0x15C8, v0;
	v1 =	vsel vm10, $0x4048, v1  }
0xd: {  	vm13 =	vcmask $0x3330;
	s9 =	sadd.s32 $0xC000, s2;
	s5 =	sshll.u32 s0, $0x2;
	s0 =	ssub.s32 $0x2, s0;
	v0 =	vsel vm11, $0x1650, v0;
	v1 =	vsel vm11, $0x40D0, v1  }
0xe: {  	vm14 =	vcmask $0x3734;
	[smem:$0x7FF] =	sst s3;
	s6 =	sor.u32 s5, s4;
	s7 =	sshrl.u32 s0, $0x1;
	v0 =	vsel vm12, $0x16D8, v0;
	v1 =	vsel vm12, $0x4158, v1  }
0xf: {  	v2 =	vimm.s32 $0x0;
	_ =	strace $0x80000047;
	s4 =	sshll.u32 s6, $0x4;
	s0 =	ssub.s32 s0, s7;
	v0 =	vsel vm13, $0x1760, v0;
	v1 =	vsel vm13, $0x41E0, v1  }
0x10: {  	s6 =	sshll.u32 s6, $0x7;
	s7 =	sadd.s32 $0x4000, s2;
	s31 =	sadd.s32 s4, s1;
	vm15 =	vcmask $0x3B38;
	v0 =	vsel vm14, $0x17E8, v0;
	v3 =	vsel vm14, $0x4268, v1  }
0x11: {  	s4 =	sadd.s32 $0xF42A00, s1;
	s10 =	smax.u32 s0, $0x1;
	s5 =	sadd.s32 $0x600, s31;
	v1 =	vsel vm0, $0x3, v2;
	v0 =	vsel vm15, $0x1870, v0;
	v2 =	vsel vm15, $0x42F0, v3  }
.LBB2_1:
0x12: {  	s0 =	simm.s32 $0x200;
	s1 =	simm.s32 $0x4000  }
0x13: {  	[tilespmem:s3], [sflag:$0x1] =	stream.strided.gather [hbm4b:s5+s0], $0x3400, s1, s0, $0x38;
	[tilespmem:$0x15E00] =	vst v63  }
0x14: {  	_ =	swait.ge [sflag:s13], $0x3400  }
0x15: {  	[sflag:s13] =	ssyncset.done $0x0  }
0x16: {  	s29 =	simm.s32 $0x3400;
	[sflag:s13] =	ssyncadd.s32 $0xFFFFCC00  }
0x17: {  	[tilespmem:s29], [sflag:$0x2] =	stream.indirect.gather [hbm4b:s4+s14], $0x20, s3, s14, $0xb8;
	[tilespmem:$0x15E00] =	vst v63  }
0x18: {  	s30 =	simm.s32 $0x4400  }
0x19: {  	[tilespmem:s30], [sflag:$0x2] =	stream.indirect.gather [hbm4b:s4+s14], $0x20, s14, s14, $0xb8;
	[tilespmem:$0x15E00] =	vst v63  }
0x1a: {  	s31 =	simm.s32 $0x100  }
0x1b: {  	[tilespmem:s18], [sflag:$0x2] =	stream.indirect.gather [hbm4b:s4+s14], $0x20, s31, s14, $0xb8;
	[tilespmem:$0x15E00] =	vst v63  }
0x1c: {  	p0 =	por $0x0, $0x0;
	s24 =	simm.s32 $0x0  }
0x1d: {  	[tilespmem:s20], [sflag:$0x2] =	stream.indirect.gather [hbm4b:s4+s14], $0x20, s19, s14, $0xb8;
	[tilespmem:$0x15E00] =	vst v63  }
.LBB2_3:
0x1e: {  	s25 =	sand.u32 $0x1, s24;
	p1 =	seq.s32 s24, $0x19  }
0x1f: {  	s26 =	smov.u32 s24;
	s24 =	sadd.s32 $0x1, s24;
	s0 =	sxor.u32 @!p1 $0x1, s25  }
0x20: {  	s12 =	sshll.u32 @!p1 s24, $0x9;
	s15 =	simm.s32 @!p1 $0x80;
	s1 =	sshll.u32 @!p1 s0, $0xE  }
0x21: {  	s12 =	sand.u32 @!p1 $0x3FFFFE00, s12;
	s0 =	sor.u32 @!p1 $0x2, s0;
	s11 =	sor.u32 @!p1 $0x3400, s1  }
0x22: {  	[tilespmem:s11], [sflag:s0] =	stream.indirect.gather @!p1 [hbm4b:s4+s15], $0x20, s12, s15, $0xb8;
	[tilespmem:$0x15E00] =	vst v63  }
0x23: {  	s16 =	sor.u32 @!p1 $0x80, s12;
	s11 =	sadd.s32 @!p1 $0x4400, s1  }
0x24: {  	[tilespmem:s11], [sflag:s0] =	stream.indirect.gather @!p1 [hbm4b:s4+s15], $0x20, s16, s15, $0xb8;
	[tilespmem:$0x15E00] =	vst v63  }
0x25: {  	s11 =	sadd.s32 @!p1 $0x5400, s1;
	s16 =	sor.u32 @!p1 $0x100, s12  }
0x26: {  	[tilespmem:s11], [sflag:s0] =	stream.indirect.gather @!p1 [hbm4b:s4+s15], $0x20, s16, s15, $0xb8;
	[tilespmem:$0x15E00] =	vst v63  }
0x27: {  	s1 =	sadd.s32 @!p1 $0x6400, s1;
	s11 =	sor.u32 @!p1 $0x180, s12;
	s12 =	sor.u32 $0x2, s25  }
0x28: {  	[tilespmem:s1], [sflag:s0] =	stream.indirect.gather @!p1 [hbm4b:s4+s15], $0x20, s11, s15, $0xb8;
	[tilespmem:$0x15E00] =	vst v63  }
0x29: {  	_ =	swait.ge [sflag:s12], $0x4000  }
0x2a: {  	p1 =	slt.u32 s26, $0x2;
	[sflag:s12] =	ssyncset.done $0x0  }
0x2b: {  	s11 =	sor.u32 @!p1 $0x4, s25;
	[sflag:s12] =	ssyncadd.s32 $0xFFFFC000  }
0x2c: {  	_ =	swait.ge @!p1 [sflag:s11], $0x1000  }
0x2d: {  	[sflag:s11] =	ssyncset.done @!p1 $0x0  }
0x2e: {  	[sflag:s11] =	ssyncadd.s32 @!p1 $0xFFFFF000  }
0x2f: {  	_ =	swait.ge @!p1 [sflag:s11], $0x1000  }
0x30: {  	[sflag:s11] =	ssyncset.done @!p1 $0x0  }
0x31: {  	s16 =	simm.s32 $0x0;
	s15 =	simm.s32 $0x0;
	[sflag:s11] =	ssyncadd.s32 @!p1 $0xFFFFF000  }
0x32: {  	v3 =	vmov s16;
	s0 =	sand.u32 $0x78, s15;
	_ =	swait.ge @!p1 [sflag:s11], $0x1000  }
0x33: {  	v3 =	vmul.u32 $0x440, v3;
	v4 =	vmov s0;
	[sflag:s11] =	ssyncset.done @!p1 $0x0  }
0x34: {  	s1 =	simm.s32 $0x1;
	v4 =	vshrl.u32 v4, $0x3;
	[sflag:s11] =	ssyncadd.s32 @!p1 $0xFFFFF000  }
0x35: {  	s1 =	simm.s32 @!p0 $0x0;
	v3 =	vbroadcast v3, $0x0;
	v4 =	vshll.u32 v4, v1;
	_ =	swait.ge @!p1 [sflag:s11], $0x1000  }
0x36: {  	s17 =	sshll.u32 s1, $0xE;
	v4 =	vbroadcast v4, $0x0;
	[sflag:s11] =	ssyncset.done @!p1 $0x0  }
0x37: {  	s0 =	sor.u32 $0x3480, s17;
	v5 =	vadd.s32 v0, v3;
	[sflag:s11] =	ssyncadd.s32 @!p1 $0xFFFFF000  }
0x38: {  	v7 =	vadd.s32 v5, v4;
	v6 =	vld [tilespmem:s0+$0xFFFFFF80]  }
0x39: {  	s12 =	smul.u32 $0x15400, s25;
	_ =	sdelay $0x1  }
0x3a: {  	s11 =	sshrl.u32 s12, $0x2  }
0x3b: {  	s15 =	simm.s32 $0x1;
	s28 =	sadd.s32 $0xB400, s11  }
0x3c: {  	v3 =	vadd.s32 v2, v3;
	s11 =	sand.u32 $0x78, s15;
	[tilespmem:v7+s28+$0x0] =	vst.idx.msk $0xffff, v6  }
0x3d: {  	v4 =	vadd.s32 v3, v4;
	v57 =	vmov s11;
	v6 =	vld [tilespmem:s0+$0xFFFFFF90]  }
0x3e: {  	v7 =	vshrl.u32 v57, $0x3  }
0x3f: {  	v7 =	vshll.u32 v7, v1  }
0x40: {  	v7 =	vbroadcast v7, $0x0;
	_ =	sdelay $0x1  }
0x41: {  	[tilespmem:v4+s28+$0x0] =	vst.idx.msk $0xffff, v6;
	v4 =	vadd.s32 v5, v7  }
0x42: {  	v6 =	vld [tilespmem:s0+$0xFFFFFFA0];
	v4 =	vor.u32 $0x1, v4;
	_ =	sdelay $0x3  }
0x43: {  	s16 =	simm.s32 $0x2  }
0x44: {  	s11 =	sand.u32 $0x78, s16;
	[tilespmem:v4+s28+$0x0] =	vst.idx.msk $0xffff, v6;
	v4 =	vadd.s32 v3, v7  }
0x45: {  	v58 =	vmov s11;
	v6 =	vld [tilespmem:s0+$0xFFFFFFB0];
	v4 =	vor.u32 $0x1, v4  }
0x46: {  	v7 =	vshrl.u32 v58, $0x3  }
0x47: {  	v7 =	vshll.u32 v7, v1  }
0x48: {  	v7 =	vbroadcast v7, $0x0;
	_ =	sdelay $0x1  }
0x49: {  	[tilespmem:v4+s28+$0x0] =	vst.idx.msk $0xffff, v6;
	v4 =	vadd.s32 v5, v7  }
0x4a: {  	v6 =	vld [tilespmem:s0+$0xFFFFFFC0];
	v4 =	vor.u32 $0x2, v4;
	_ =	sdelay $0x3  }
0x4b: {  	s17 =	simm.s32 $0x3  }
0x4c: {  	s11 =	sand.u32 $0x78, s17;
	[tilespmem:v4+s28+$0x0] =	vst.idx.msk $0xffff, v6;
	v4 =	vadd.s32 v3, v7  }
0x4d: {  	v59 =	vmov s11;
	v6 =	vld [tilespmem:s0+$0xFFFFFFD0];
	v4 =	vor.u32 $0x2, v4  }
0x4e: {  	v7 =	vshrl.u32 v59, $0x3  }
0x4f: {  	v7 =	vshll.u32 v7, v1  }
0x50: {  	v7 =	vbroadcast v7, $0x0;
	_ =	sdelay $0x1  }
0x51: {  	[tilespmem:v4+s28+$0x0] =	vst.idx.msk $0xffff, v6;
	v4 =	vadd.s32 v5, v7  }
0x52: {  	v6 =	vld [tilespmem:s0+$0xFFFFFFE0];
	v4 =	vor.u32 $0x3, v4;
	_ =	sdelay $0x3  }
0x53: {  	s12 =	simm.s32 $0x4  }
0x54: {  	s11 =	sand.u32 $0x78, s12;
	[tilespmem:v4+s28+$0x0] =	vst.idx.msk $0xffff, v6;
	v4 =	vadd.s32 v3, v7  }
0x55: {  	v60 =	vmov s11;
	v6 =	vld [tilespmem:s0+$0xFFFFFFF0];
	v4 =	vor.u32 $0x3, v4  }
0x56: {  	v7 =	vshrl.u32 v60, $0x3  }
0x57: {  	v7 =	vshll.u32 v7, v1  }
0x58: {  	v7 =	vbroadcast v7, $0x0;
	_ =	sdelay $0x1  }
0x59: {  	[tilespmem:v4+s28+$0x0] =	vst.idx.msk $0xffff, v6;
	v4 =	vadd.s32 v5, v7  }
0x5a: {  	v6 =	vld [tilespmem:s0+$0x0];
	v4 =	vor.u32 $0x4, v4;
	_ =	sdelay $0x3  }
0x5b: {  	s15 =	simm.s32 $0x5  }
0x5c: {  	s11 =	sand.u32 $0x78, s15;
	[tilespmem:v4+s28+$0x0] =	vst.idx.msk $0xffff, v6;
	v4 =	vadd.s32 v3, v7  }
0x5d: {  	v61 =	vmov s11;
	v6 =	vld [tilespmem:s0+$0x10];
	v4 =	vor.u32 $0x4, v4  }
0x5e: {  	v7 =	vshrl.u32 v61, $0x3  }
0x5f: {  	v7 =	vshll.u32 v7, v1  }
0x60: {  	v7 =	vbroadcast v7, $0x0;
	_ =	sdelay $0x1  }
0x61: {  	[tilespmem:v4+s28+$0x0] =	vst.idx.msk $0xffff, v6;
	v4 =	vadd.s32 v5, v7  }
0x62: {  	v6 =	vld [tilespmem:s0+$0x20];
	v4 =	vor.u32 $0x5, v4;
	_ =	sdelay $0x3  }
0x63: {  	s16 =	simm.s32 $0x6  }
0x64: {  	s11 =	sand.u32 $0x78, s16;
	[tilespmem:v4+s28+$0x0] =	vst.idx.msk $0xffff, v6;
	v4 =	vadd.s32 v3, v7  }
0x65: {  	v62 =	vmov s11;
	v6 =	vld [tilespmem:s0+$0x30];
	v4 =	vor.u32 $0x5, v4  }
0x66: {  	v7 =	vshrl.u32 v62, $0x3  }
0x67: {  	v7 =	vshll.u32 v7, v1  }
0x68: {  	v7 =	vbroadcast v7, $0x0;
	_ =	sdelay $0x1  }
0x69: {  	[tilespmem:v4+s28+$0x0] =	vst.idx.msk $0xffff, v6;
	v4 =	vadd.s32 v5, v7  }
0x6a: {  	v6 =	vld [tilespmem:s0+$0x40];
	v4 =	vor.u32 $0x6, v4;
	_ =	sdelay $0x3  }
0x6b: {  	s17 =	simm.s32 $0x7  }
0x6c: {  	s11 =	sand.u32 $0x78, s17;
	[tilespmem:v4+s28+$0x0] =	vst.idx.msk $0xffff, v6;
	v4 =	vadd.s32 v3, v7  }
0x6d: {  	v63 =	vmov s11;
	v6 =	vld [tilespmem:s0+$0x50];
	v4 =	vor.u32 $0x6, v4  }
0x6e: {  	v7 =	vshrl.u32 v63, $0x3  }
0x6f: {  	v7 =	vshll.u32 v7, v1  }
0x70: {  	v7 =	vbroadcast v7, $0x0;
	_ =	sdelay $0x1  }
0x71: {  	[tilespmem:v4+s28+$0x0] =	vst.idx.msk $0xffff, v6;
	v4 =	vadd.s32 v5, v7  }
0x72: {  	s1 =	smul.u32 $0x15400, s1;
	v5 =	vld [tilespmem:s0+$0x60];
	v4 =	vor.u32 $0x7, v4;
	_ =	sdelay $0x1  }
0x73: {  	s1 =	sshrl.u32 s1, $0x2  }
0x74: {  	s29 =	sadd.s32 $0xF3C0, s1;
	s30 =	sadd.s32 $0xDE80, s1  }
0x75: {  	s31 =	sadd.s32 $0xC940, s1;
	s1 =	sadd.s32 $0xB400, s1;
	s12 =	simm.s32 $0x1  }
0x76: {  	s15 =	simm.s32 $0x10;
	s16 =	simm.s32 $0x0;
	s11 =	simm.s32 $0x8;
	v3 =	vadd.s32 v3, v7;
	[tilespmem:v4+s28+$0x0] =	vst.idx.msk $0xffff, v5  }
.LBB2_4:
0x77: {  	p1 =	sne.s32 s15, $0x1F8;
	s17 =	sand.u32 $0x78, s11;
	v4 =	vmov s16;
	v5 =	vld [tilespmem:s0+$0x70];
	v6 =	vor.u32 $0x7, v3  }
0x78: {  	v3 =	vmov s17;
	v4 =	vmul.u32 $0x440, v4  }
0x79: {  	v3 =	vshrl.u32 v3, $0x3  }
0x7a: {  	v4 =	vbroadcast v4, $0x0;
	v3 =	vshll.u32 v3, v1  }
0x7b: {  	v7 =	vbroadcast v3, $0x0  }
0x7c: {  	s0 =	sadd.s32 $0x100, s0;
	v3 =	vadd.s32 v0, v4;
	[tilespmem:v6+s28+$0x0] =	vst.idx.msk $0xffff, v5  }
0x7d: {  	v5 =	vld [tilespmem:s0+$0xFFFFFF80];
	v6 =	vadd.s32 v3, v7;
	_ =	sdelay $0x3  }
0x7e: {  	s16 =	sadd.s32 $0x1, s11  }
0x7f: {  	s16 =	sand.u32 $0x78, s16;
	v4 =	vadd.s32 v2, v4;
	[tilespmem:v6+s28+$0x0] =	vst.idx.msk $0xffff, v5  }
0x80: {  	v6 =	vadd.s32 v4, v7;
	v7 =	vmov s16;
	v5 =	vld [tilespmem:s0+$0xFFFFFF90]  }
0x81: {  	v7 =	vshrl.u32 v7, $0x3  }
0x82: {  	v7 =	vshll.u32 v7, v1  }
0x83: {  	v7 =	vbroadcast v7, $0x0;
	_ =	sdelay $0x1  }
0x84: {  	[tilespmem:v6+s28+$0x0] =	vst.idx.msk $0xffff, v5;
	v5 =	vadd.s32 v3, v7  }
0x85: {  	v6 =	vld [tilespmem:s0+$0xFFFFFFA0];
	v5 =	vor.u32 $0x1, v5;
	_ =	sdelay $0x3  }
0x86: {  	s16 =	sadd.s32 $0x2, s11  }
0x87: {  	s16 =	sand.u32 $0x78, s16;
	[tilespmem:v5+s28+$0x0] =	vst.idx.msk $0xffff, v6;
	v5 =	vadd.s32 v4, v7  }
0x88: {  	v7 =	vmov s16;
	v6 =	vld [tilespmem:s0+$0xFFFFFFB0];
	v5 =	vor.u32 $0x1, v5  }
0x89: {  	v7 =	vshrl.u32 v7, $0x3  }
0x8a: {  	v7 =	vshll.u32 v7, v1  }
0x8b: {  	v7 =	vbroadcast v7, $0x0;
	_ =	sdelay $0x1  }
0x8c: {  	[tilespmem:v5+s28+$0x0] =	vst.idx.msk $0xffff, v6;
	v5 =	vadd.s32 v3, v7  }
0x8d: {  	v6 =	vld [tilespmem:s0+$0xFFFFFFC0];
	v5 =	vor.u32 $0x2, v5;
	_ =	sdelay $0x3  }
0x8e: {  	s16 =	sadd.s32 $0x3, s11  }
0x8f: {  	s16 =	sand.u32 $0x78, s16;
	[tilespmem:v5+s28+$0x0] =	vst.idx.msk $0xffff, v6;
	v5 =	vadd.s32 v4, v7  }
0x90: {  	v7 =	vmov s16;
	v6 =	vld [tilespmem:s0+$0xFFFFFFD0];
	v5 =	vor.u32 $0x2, v5  }
0x91: {  	v7 =	vshrl.u32 v7, $0x3  }
0x92: {  	v7 =	vshll.u32 v7, v1  }
0x93: {  	v7 =	vbroadcast v7, $0x0;
	_ =	sdelay $0x1  }
0x94: {  	[tilespmem:v5+s28+$0x0] =	vst.idx.msk $0xffff, v6;
	v5 =	vadd.s32 v3, v7  }
0x95: {  	v6 =	vld [tilespmem:s0+$0xFFFFFFE0];
	v5 =	vor.u32 $0x3, v5;
	_ =	sdelay $0x3  }
0x96: {  	s16 =	sadd.s32 $0x4, s11  }
0x97: {  	s16 =	sand.u32 $0x78, s16;
	[tilespmem:v5+s28+$0x0] =	vst.idx.msk $0xffff, v6;
	v5 =	vadd.s32 v4, v7  }
0x98: {  	v7 =	vmov s16;
	v6 =	vld [tilespmem:s0+$0xFFFFFFF0];
	v5 =	vor.u32 $0x3, v5  }
0x99: {  	v7 =	vshrl.u32 v7, $0x3  }
0x9a: {  	v7 =	vshll.u32 v7, v1  }
0x9b: {  	v7 =	vbroadcast v7, $0x0;
	_ =	sdelay $0x1  }
0x9c: {  	[tilespmem:v5+s28+$0x0] =	vst.idx.msk $0xffff, v6;
	v5 =	vadd.s32 v3, v7  }
0x9d: {  	v6 =	vld [tilespmem:s0+$0x0];
	v5 =	vor.u32 $0x4, v5;
	_ =	sdelay $0x3  }
0x9e: {  	s16 =	sadd.s32 $0x5, s11  }
0x9f: {  	s16 =	sand.u32 $0x78, s16;
	[tilespmem:v5+s28+$0x0] =	vst.idx.msk $0xffff, v6;
	v5 =	vadd.s32 v4, v7  }
0xa0: {  	v7 =	vmov s16;
	v6 =	vld [tilespmem:s0+$0x10];
	v5 =	vor.u32 $0x4, v5  }
0xa1: {  	v7 =	vshrl.u32 v7, $0x3  }
0xa2: {  	v7 =	vshll.u32 v7, v1  }
0xa3: {  	v7 =	vbroadcast v7, $0x0;
	_ =	sdelay $0x1  }
0xa4: {  	[tilespmem:v5+s28+$0x0] =	vst.idx.msk $0xffff, v6;
	v5 =	vadd.s32 v3, v7  }
0xa5: {  	v6 =	vld [tilespmem:s0+$0x20];
	v5 =	vor.u32 $0x5, v5;
	_ =	sdelay $0x3  }
0xa6: {  	s16 =	sadd.s32 $0x6, s11  }
0xa7: {  	s16 =	sand.u32 $0x78, s16;
	[tilespmem:v5+s28+$0x0] =	vst.idx.msk $0xffff, v6;
	v5 =	vadd.s32 v4, v7  }
0xa8: {  	v7 =	vmov s16;
	v6 =	vld [tilespmem:s0+$0x30];
	v5 =	vor.u32 $0x5, v5  }
0xa9: {  	v7 =	vshrl.u32 v7, $0x3  }
0xaa: {  	v7 =	vshll.u32 v7, v1  }
0xab: {  	v7 =	vbroadcast v7, $0x0;
	_ =	sdelay $0x1  }
0xac: {  	[tilespmem:v5+s28+$0x0] =	vst.idx.msk $0xffff, v6;
	v5 =	vadd.s32 v3, v7  }
0xad: {  	v6 =	vld [tilespmem:s0+$0x40];
	v5 =	vor.u32 $0x6, v5;
	_ =	sdelay $0x3  }
0xae: {  	s16 =	sadd.s32 $0x7, s11;
	s11 =	smov.u32 s15  }
0xaf: {  	s16 =	sand.u32 $0x78, s16;
	[tilespmem:v5+s28+$0x0] =	vst.idx.msk $0xffff, v6;
	v5 =	vadd.s32 v4, v7  }
0xb0: {  	v7 =	vmov s16;
	v6 =	vld [tilespmem:s0+$0x50];
	v5 =	vor.u32 $0x6, v5  }
0xb1: {  	v7 =	vshrl.u32 v7, $0x3  }
0xb2: {  	v7 =	vshll.u32 v7, v1  }
0xb3: {  	v7 =	vbroadcast v7, $0x0;
	_ =	sdelay $0x1  }
0xb4: {  	v3 =	vadd.s32 v3, v7;
	[tilespmem:v5+s28+$0x0] =	vst.idx.msk $0xffff, v6  }
0xb5: {  	v3 =	vor.u32 $0x7, v3;
	v5 =	vld [tilespmem:s0+$0x60]  }
.Ltmp0:
0xb6: {  	(pc) =	sbr.rel @p1 .LBB2_4-.Ltmp0, $3  }
0xb7: {  	_ =	sdelay $0x1  }
0xb8: {  	s12 =	sadd.s32 $0x1, s12  }
0xb9: {  	s15 =	sadd.s32 $0x8, s15;
	s16 =	sshrl.u32 s12, $0x4;
	[tilespmem:v3+s28+$0x0] =	vst.idx.msk $0xffff, v5;
	v3 =	vadd.s32 v4, v7  }
0xba: {  	s12 =	sand.u32 $0x78, s11;
	v4 =	vmov s16;
	v5 =	vld [tilespmem:s0+$0x70];
	v3 =	vor.u32 $0x7, v3  }
0xbb: {  	v6 =	vmov s12;
	v4 =	vmul.u32 $0x440, v4  }
0xbc: {  	v6 =	vshrl.u32 v6, $0x3  }
0xbd: {  	v4 =	vbroadcast v4, $0x0;
	v6 =	vshll.u32 v6, v1  }
0xbe: {  	v6 =	vbroadcast v6, $0x0  }
0xbf: {  	s0 =	sadd.s32 $0x100, s0;
	v7 =	vadd.s32 v0, v4;
	[tilespmem:v3+s28+$0x0] =	vst.idx.msk $0xffff, v5  }
0xc0: {  	v3 =	vld [tilespmem:s0+$0xFFFFFF80];
	v41 =	vadd.s32 v7, v6;
	_ =	sdelay $0x3  }
0xc1: {  	s17 =	sadd.s32 $0x1, s11  }
0xc2: {  	s12 =	sand.u32 $0x78, s17;
	[tilespmem:v41+s28+$0x0] =	vst.idx.msk $0xffff, v3;
	v3 =	vadd.s32 v2, v4  }
0xc3: {  	v44 =	vmov s12;
	v42 =	vld [tilespmem:s0+$0xFFFFFF90];
	v43 =	vadd.s32 v3, v6  }
0xc4: {  	v6 =	vshrl.u32 v44, $0x3  }
0xc5: {  	v6 =	vshll.u32 v6, v1  }
0xc6: {  	v6 =	vbroadcast v6, $0x0;
	_ =	sdelay $0x1  }
0xc7: {  	v45 =	vadd.s32 v7, v6;
	[tilespmem:v43+s28+$0x0] =	vst.idx.msk $0xffff, v42  }
0xc8: {  	v4 =	vor.u32 $0x1, v45;
	v5 =	vld [tilespmem:s0+$0xFFFFFFA0];
	_ =	sdelay $0x3  }
0xc9: {  	s15 =	sadd.s32 $0x2, s11  }
0xca: {  	s12 =	sand.u32 $0x78, s15;
	v46 =	vadd.s32 v3, v6;
	[tilespmem:v4+s28+$0x0] =	vst.idx.msk $0xffff, v5  }
0xcb: {  	v47 =	vmov s12;
	v4 =	vor.u32 $0x1, v46;
	v5 =	vld [tilespmem:s0+$0xFFFFFFB0]  }
0xcc: {  	v6 =	vshrl.u32 v47, $0x3  }
0xcd: {  	v6 =	vshll.u32 v6, v1  }
0xce: {  	v6 =	vbroadcast v6, $0x0;
	_ =	sdelay $0x1  }
0xcf: {  	v48 =	vadd.s32 v7, v6;
	[tilespmem:v4+s28+$0x0] =	vst.idx.msk $0xffff, v5  }
0xd0: {  	v4 =	vor.u32 $0x2, v48;
	v5 =	vld [tilespmem:s0+$0xFFFFFFC0];
	_ =	sdelay $0x3  }
0xd1: {  	s16 =	sadd.s32 $0x3, s11  }
0xd2: {  	s12 =	sand.u32 $0x78, s16;
	v49 =	vadd.s32 v3, v6;
	[tilespmem:v4+s28+$0x0] =	vst.idx.msk $0xffff, v5  }
0xd3: {  	v50 =	vmov s12;
	v4 =	vor.u32 $0x2, v49;
	v5 =	vld [tilespmem:s0+$0xFFFFFFD0]  }
0xd4: {  	v6 =	vshrl.u32 v50, $0x3  }
0xd5: {  	v6 =	vshll.u32 v6, v1  }
0xd6: {  	v6 =	vbroadcast v6, $0x0;
	_ =	sdelay $0x1  }
0xd7: {  	v51 =	vadd.s32 v7, v6;
	[tilespmem:v4+s28+$0x0] =	vst.idx.msk $0xffff, v5  }
0xd8: {  	v4 =	vor.u32 $0x3, v51;
	v5 =	vld [tilespmem:s0+$0xFFFFFFE0];
	_ =	sdelay $0x3  }
0xd9: {  	s17 =	sadd.s32 $0x4, s11  }
0xda: {  	s12 =	sand.u32 $0x78, s17;
	v52 =	vadd.s32 v3, v6;
	[tilespmem:v4+s28+$0x0] =	vst.idx.msk $0xffff, v5  }
0xdb: {  	v53 =	vmov s12;
	v4 =	vor.u32 $0x3, v52;
	v5 =	vld [tilespmem:s0+$0xFFFFFFF0]  }
0xdc: {  	v6 =	vshrl.u32 v53, $0x3  }
0xdd: {  	v6 =	vshll.u32 v6, v1  }
0xde: {  	v6 =	vbroadcast v6, $0x0;
	_ =	sdelay $0x1  }
0xdf: {  	v54 =	vadd.s32 v7, v6;
	[tilespmem:v4+s28+$0x0] =	vst.idx.msk $0xffff, v5  }
0xe0: {  	v4 =	vor.u32 $0x4, v54;
	v5 =	vld [tilespmem:s0+$0x0];
	_ =	sdelay $0x3  }
0xe1: {  	s15 =	sadd.s32 $0x5, s11  }
0xe2: {  	s12 =	sand.u32 $0x78, s15;
	v55 =	vadd.s32 v3, v6;
	[tilespmem:v4+s28+$0x0] =	vst.idx.msk $0xffff, v5  }
0xe3: {  	v56 =	vmov s12;
	v4 =	vor.u32 $0x4, v55;
	v5 =	vld [tilespmem:s0+$0x10]  }
0xe4: {  	v6 =	vshrl.u32 v56, $0x3  }
0xe5: {  	v6 =	vshll.u32 v6, v1  }
0xe6: {  	v6 =	vbroadcast v6, $0x0;
	_ =	sdelay $0x1  }
0xe7: {  	v57 =	vadd.s32 v7, v6;
	[tilespmem:v4+s28+$0x0] =	vst.idx.msk $0xffff, v5  }
0xe8: {  	v4 =	vor.u32 $0x5, v57;
	v5 =	vld [tilespmem:s0+$0x20];
	_ =	sdelay $0x3  }
0xe9: {  	s16 =	sadd.s32 $0x6, s11  }
0xea: {  	s12 =	sand.u32 $0x78, s16;
	v58 =	vadd.s32 v3, v6;
	[tilespmem:v4+s28+$0x0] =	vst.idx.msk $0xffff, v5  }
0xeb: {  	v59 =	vmov s12;
	v4 =	vor.u32 $0x5, v58;
	v5 =	vld [tilespmem:s0+$0x30]  }
0xec: {  	v6 =	vshrl.u32 v59, $0x3  }
0xed: {  	v6 =	vshll.u32 v6, v1  }
0xee: {  	v6 =	vbroadcast v6, $0x0;
	_ =	sdelay $0x1  }
0xef: {  	v60 =	vadd.s32 v7, v6;
	[tilespmem:v4+s28+$0x0] =	vst.idx.msk $0xffff, v5  }
0xf0: {  	v4 =	vor.u32 $0x6, v60;
	v5 =	vld [tilespmem:s0+$0x40];
	_ =	sdelay $0x3  }
0xf1: {  	s17 =	sadd.s32 $0x7, s11  }
0xf2: {  	s11 =	sand.u32 $0x78, s17;
	v61 =	vadd.s32 v3, v6;
	[tilespmem:v4+s28+$0x0] =	vst.idx.msk $0xffff, v5  }
0xf3: {  	v62 =	vmov s11;
	v4 =	vor.u32 $0x6, v61;
	v5 =	vld [tilespmem:s0+$0x50]  }
0xf4: {  	v6 =	vshrl.u32 v62, $0x3  }
0xf5: {  	v6 =	vshll.u32 v6, v1  }
0xf6: {  	v6 =	vbroadcast v6, $0x0;
	_ =	sdelay $0x1  }
0xf7: {  	v63 =	vadd.s32 v7, v6;
	[tilespmem:v4+s28+$0x0] =	vst.idx.msk $0xffff, v5  }
0xf8: {  	v4 =	vor.u32 $0x7, v63;
	v5 =	vld [tilespmem:s0+$0x60];
	_ =	sdelay $0x4  }
0xf9: {  	v3 =	vadd.s32 v3, v6;
	[tilespmem:v4+s28+$0x0] =	vst.idx.msk $0xffff, v5  }
0xfa: {  	v3 =	vor.u32 $0x7, v3;
	v4 =	vld [tilespmem:s0+$0x70];
	_ =	sdelay $0x1  }
0xfb: {  	s26 =	sshll.u32 s26, $0x10  }
0xfc: {  	s11 =	sor.u32 s6, s26  }
0xfd: {  	s15 =	simm.s32 $0x10;
	s12 =	sadd.s32 s2, s11  }
0xfe: {  	s16 =	sadd.s32 $0x0, s12;
	s0 =	sor.u32 $0x4, s25;
	s25 =	sadd.s32 $0x88, s1;
	[tilespmem:v3+s28+$0x0] =	vst.idx.msk $0xffff, v4  }
.LBB2_6:
0xff: {  	[hbm4b:s16+s3] =	stream.linear.scatter [tilespmem:s1], [sflag:s0], $0x80, $0x38;
	[tilespmem:$0x15E00] =	vst v63  }
0x100: {  	s16 =	smov.u32 s15;
	s1 =	smov.u32 s25;
	p1 =	sne.s32 s15, $0x1F0  }
.Ltmp1:
0x101: {  	s15 =	sadd.s32 $0x10, s15;
	(pc) =	sbr.rel @p1 .LBB2_6-.Ltmp1, $2  }
0x102: {  	_ =	sdelay $0x2  }
0x103: {  	s25 =	sadd.s32 $0x88, s25;
	s16 =	sadd.s32 s16, s12  }
0x104: {  	[hbm4b:s16+s3] =	stream.linear.scatter [tilespmem:s1], [sflag:s0], $0x80, $0x38;
	[tilespmem:$0x15E00] =	vst v63  }
0x105: {  	s1 =	sadd.s32 s11, s7  }
0x106: {  	s12 =	simm.s32 $0x10;
	s15 =	sadd.s32 $0x88, s31;
	s16 =	sadd.s32 $0x0, s1  }
.LBB2_8:
0x107: {  	[hbm4b:s16+s3] =	stream.linear.scatter [tilespmem:s31], [sflag:s0], $0x80, $0x38;
	[tilespmem:$0x15E00] =	vst v63  }
0x108: {  	s16 =	smov.u32 s12;
	s31 =	smov.u32 s15;
	p1 =	sne.s32 s12, $0x1F0  }
.Ltmp2:
0x109: {  	s12 =	sadd.s32 $0x10, s12;
	(pc) =	sbr.rel @p1 .LBB2_8-.Ltmp2, $2  }
0x10a: {  	_ =	sdelay $0x2  }
0x10b: {  	s15 =	sadd.s32 $0x88, s15;
	s16 =	sadd.s32 s16, s1  }
0x10c: {  	[hbm4b:s16+s3] =	stream.linear.scatter [tilespmem:s31], [sflag:s0], $0x80, $0x38;
	[tilespmem:$0x15E00] =	vst v63  }
0x10d: {  	s1 =	sadd.s32 s11, s8  }
0x10e: {  	s12 =	simm.s32 $0x10;
	s15 =	sadd.s32 $0x88, s30;
	s16 =	sadd.s32 $0x0, s1  }
.LBB2_10:
0x10f: {  	[hbm4b:s16+s3] =	stream.linear.scatter [tilespmem:s30], [sflag:s0], $0x80, $0x38;
	[tilespmem:$0x15E00] =	vst v63  }
0x110: {  	s16 =	smov.u32 s12;
	s30 =	smov.u32 s15;
	p1 =	sne.s32 s12, $0x1F0  }
.Ltmp3:
0x111: {  	s12 =	sadd.s32 $0x10, s12;
	(pc) =	sbr.rel @p1 .LBB2_10-.Ltmp3, $2  }
0x112: {  	_ =	sdelay $0x2  }
0x113: {  	s15 =	sadd.s32 $0x88, s15;
	s16 =	sadd.s32 s16, s1  }
0x114: {  	[hbm4b:s16+s3] =	stream.linear.scatter [tilespmem:s30], [sflag:s0], $0x80, $0x38;
	[tilespmem:$0x15E00] =	vst v63  }
0x115: {  	s1 =	sadd.s32 s11, s9  }
0x116: {  	s11 =	simm.s32 $0x10;
	s12 =	sadd.s32 $0x88, s29;
	s15 =	sadd.s32 $0x0, s1  }
.LBB2_12:
0x117: {  	[hbm4b:s15+s3] =	stream.linear.scatter [tilespmem:s29], [sflag:s0], $0x80, $0x38;
	[tilespmem:$0x15E00] =	vst v63  }
0x118: {  	s15 =	smov.u32 s11;
	s29 =	smov.u32 s12;
	p1 =	seq.s32 s11, $0x1F0  }
.Ltmp4:
0x119: {  	s11 =	sadd.s32 $0x10, s11;
	(pc) =	sbr.rel @!p1 .LBB2_12-.Ltmp4, $2  }
0x11a: {  	_ =	sdelay $0x2  }
0x11b: {  	s12 =	sadd.s32 $0x88, s12;
	s15 =	sadd.s32 s15, s1  }
0x11c: {  	[hbm4b:s15+s3] =	stream.linear.scatter [tilespmem:s29], [sflag:s0], $0x80, $0x38;
	[tilespmem:$0x15E00] =	vst v63  }
0x11d: {  	p1 =	seq.s32 s24, $0x1A  }
.Ltmp5:
0x11e: {  	_ = 	snop;
	(pc) =	sbr.rel @!p1 .LBB2_3-.Ltmp5, $2  }
0x11f: {  	_ =	sdelay $0x2  }
0x120: {  	p0 =	por !p0, !p0  }
0x121: {  	_ =	swait.ge [sflag:s21], $0x1000  }
0x122: {  	[sflag:s21] =	ssyncset.done $0x0  }
0x123: {  	[sflag:s21] =	ssyncadd.s32 $0xFFFFF000  }
0x124: {  	_ =	swait.ge [sflag:s21], $0x1000  }
0x125: {  	[sflag:s21] =	ssyncset.done $0x0  }
0x126: {  	[sflag:s21] =	ssyncadd.s32 $0xFFFFF000  }
0x127: {  	_ =	swait.ge [sflag:s21], $0x1000  }
0x128: {  	[sflag:s21] =	ssyncset.done $0x0  }
0x129: {  	[sflag:s21] =	ssyncadd.s32 $0xFFFFF000  }
0x12a: {  	_ =	swait.ge [sflag:s21], $0x1000  }
0x12b: {  	[sflag:s21] =	ssyncset.done $0x0  }
0x12c: {  	[sflag:s21] =	ssyncadd.s32 $0xFFFFF000  }
0x12d: {  	_ =	swait.ge [sflag:s22], $0x1000  }
0x12e: {  	[sflag:s22] =	ssyncset.done $0x0  }
0x12f: {  	[sflag:s22] =	ssyncadd.s32 $0xFFFFF000  }
0x130: {  	_ =	swait.ge [sflag:s22], $0x1000  }
0x131: {  	[sflag:s22] =	ssyncset.done $0x0  }
0x132: {  	s23 =	sadd.s32 $0x1, s23;
	[sflag:s22] =	ssyncadd.s32 $0xFFFFF000  }
0x133: {  	p0 =	sne.s32 s23, s10;
	_ =	swait.ge [sflag:s22], $0x1000  }
.Ltmp6:
0x134: {  	[sflag:s22] =	ssyncset.done $0x0;
	(pc) =	sbr.rel @p0 .LBB2_1-.Ltmp6, $4  }
0x135: {  	[sflag:s22] =	ssyncadd.s32 $0xFFFFF000  }
0x136: {  	_ =	swait.ge [sflag:s22], $0x1000  }
0x137: {  	[sflag:s22] =	ssyncset.done $0x0  }
0x138: {  	[sflag:s22] =	ssyncadd.s32 $0xFFFFF000  }
0x139: {  	_ =	sfence.sel $0x180000  }
0x13a: {  	[bflag:$0x0] =	sbarrier.arrive $0xFFFF  }
0x13b: {  	_ =	strace $0x90000047  }
0x13c: {  	s0 =	stileid.u32;
	[bflag:$0x2] =	sbarrier.arrive $0xFFFF  }
0x13d: {  	p0 =	sne.s32 s0, $0x0;
	s0 =	rddreg [dreg:$0x2]  }
0x13e: {  	s0 =	sadd.s32 @!p0 $0x100000, s0  }
0x13f: {  	[sflag:s0] =	ssyncadd.tile.s32 @!p0 $0x1;
	_ =	shalt  }
.Lfunc_end2:
_tile_overlayer_lowered:
.L_overlay_start_2:
0x140: {  	(tag) =	ssettag $0x2  }
0x141: {  	s0 =	rddreg [dreg:$0x0];
	s2 =	stileid.u32  }
0x142: {  	s1 =	rddreg [dreg:$0x1];
	p0 =	sne.s32 s2, $0x0  }
0x143: {  	s3 =	rddreg [dreg:$0x2];
	[bflag:$0x3] =	sbarrier.arrive $0xFFFF;
	s2 =	simm.s32 @!p0 $0x1C06  }
0x144: {  	[timem:s3], [sflag:s2] =	dma.local @!p0 [hbm:s0], s1  }
0x145: {  	s0 =	simm.s32 @!p0 $0x6  }
0x146: {  	_ =	swait.ge @!p0 [sflag:s0], s1  }
0x147: {  	s1 =	ssub.s32 @!p0 $0x0, s1;
	[sflag:s0] =	ssyncset.done @!p0 $0x0  }
0x148: {  	[sflag:s0] =	ssyncadd.s32 @!p0 s1  }
0x149: {  	[bflag:$0x3] =	sbarrier.arrive $0xFFFF  }
0x14a: {  	_ =	shalt  }

</sc_bundles>
